<compile_context>
chip_gen: v7x
topology: tpu7x:2x2x1
jax: 0.10.2.dev20260603
libtpu: 0.0.44.dev20260713+nightly
codegen_flags: <defaults>
</compile_context>

<pallas_src>
import functools

import jax
import jax.numpy as jnp
import numpy as np
from jax import lax
from jax.experimental import pallas as pl
from jax.experimental.pallas import tpu as pltpu
from jax.experimental.pallas import tpu_sc as plsc

N = 10000
E = 320000
D = 128
ED = 16
H = 8
DH = 16
SCALE = 1.0 / np.sqrt(DH)

NC, NS = 2, 16
NW = NC * NS
EW = E // NW
CG = 80
NCHUNK = EW // CG
SUB = CG * H // 16

BN = 2000
BE = 4000

f32 = jnp.float32


def _sc_mesh():
    return plsc.VectorSubcoreMesh(
        core_axis_name="c", subcore_axis_name="s",
        num_cores=NC, num_subcores=NS)



def _nodeproj_body(x_ref, wq, bq, wk, bk, wv, bv, nq_out, nkv_out):
    x = x_ref[...]
    nq_out[...] = jnp.dot(x, wq[...], preferred_element_type=f32) + bq[...]
    k = jnp.dot(x, wk[...], preferred_element_type=f32) + bk[...]
    v = jnp.dot(x, wv[...], preferred_element_type=f32) + bv[...]
    nkv_out[...] = jnp.concatenate([k, v], axis=1)


def _edge_body(x_ref, qg_ref, kvg_ref, wq, bq, wk, bk, wv, bv,
               msg_out, ex_out):
    x = x_ref[...]
    q = jnp.dot(x, wq[...], preferred_element_type=f32) + bq[...] + qg_ref[...]
    k = (jnp.dot(x, wk[...], preferred_element_type=f32) + bk[...]
         + kvg_ref[:, 0:D])
    v = (jnp.dot(x, wv[...], preferred_element_type=f32) + bv[...]
         + kvg_ref[:, D:2 * D])
    p = q * k
    r = lax.broadcasted_iota(jnp.int32, (D, H), 0) // DH
    c = lax.broadcasted_iota(jnp.int32, (D, H), 1)
    sel = jnp.where(r == c, f32(SCALE), f32(0.0))
    s8 = jnp.dot(p, sel, preferred_element_type=f32)
    ex = jnp.exp(s8)
    ex_out[...] = ex
    rr = lax.broadcasted_iota(jnp.int32, (H, D), 0)
    cc = lax.broadcasted_iota(jnp.int32, (H, D), 1) // DH
    expand = jnp.where(rr == cc, f32(1.0), f32(0.0))
    e128 = jnp.dot(ex, expand, preferred_element_type=f32)
    msg_out[...] = e128 * v


def _outproj_body(a0_ref, a1_ref, d_ref, w, b, o_ref):
    agg = a0_ref[...] + a1_ref[...]
    den = d_ref[...]
    r = lax.broadcasted_iota(jnp.int32, (NW * H, D), 0)
    c = lax.broadcasted_iota(jnp.int32, (NW * H, D), 1) // DH
    expand = jnp.where(lax.rem(r, H) == c, f32(1.0), f32(0.0))
    den128 = jnp.dot(den, expand, preferred_element_type=f32) + 1e-16
    o_ref[...] = jnp.dot(agg / den128, w[...],
                         preferred_element_type=f32) + b[...]



def _sc_gather_body(nq_hbm, nkv_hbm, src_hbm, dst_hbm, qg_out, kvg_out,
                    idxs0, idxd0, q0, kv0, sq0, skv0,
                    idxs1, idxd1, q1, kv1, sq1, skv1):
    c = lax.axis_index("c")
    s = lax.axis_index("s")
    base = (s * NC + c) * EW
    bufs = ((idxs0, idxd0, q0, kv0, sq0, skv0),
            (idxs1, idxd1, q1, kv1, sq1, skv1))

    def start(j, b):
        ixs, ixd, qb, kvb, sq, skv = bufs[b]
        off = base + j * CG
        pltpu.sync_copy(src_hbm.at[pl.ds(off, CG)], ixs)
        pltpu.sync_copy(dst_hbm.at[pl.ds(off, CG)], ixd)
        pltpu.async_copy(nq_hbm.at[ixs], qb, sq)
        pltpu.async_copy(nkv_hbm.at[ixd], kvb, skv)

    def finish(j, b):
        ixs, ixd, qb, kvb, sq, skv = bufs[b]
        off = base + j * CG
        pltpu.make_async_copy(nq_hbm.at[ixs], qb, sq).wait()
        pltpu.make_async_copy(nkv_hbm.at[ixd], kvb, skv).wait()
        pltpu.sync_copy(qb, qg_out.at[pl.ds(off, CG)])
        pltpu.sync_copy(kvb, kvg_out.at[pl.ds(off, CG)])

    start(0, 0)

    def chunk(j, carry):
        @pl.when(lax.rem(j, 2) == 0)
        def _():
            @pl.when(j + 1 < NCHUNK)
            def _():
                start(j + 1, 1)
            finish(j, 0)

        @pl.when(lax.rem(j, 2) == 1)
        def _():
            @pl.when(j + 1 < NCHUNK)
            def _():
                start(j + 1, 0)
            finish(j, 1)
        return carry

    lax.fori_loop(0, NCHUNK, chunk, 0)


def _sc_scatter_body(val_hbm, src_hbm, zero_hbm, out_ref,
                     ibuf0, vbuf0, vs0, ibuf1, vbuf1, vs1, acc_sh):
    c = lax.axis_index("c")
    s = lax.axis_index("s")
    base = (s * NC + c) * EW
    bufs = ((ibuf0, vbuf0, vs0), (ibuf1, vbuf1, vs1))

    @pl.when(s == 0)
    def _():
        pltpu.sync_copy(zero_hbm, acc_sh)
    plsc.subcore_barrier()

    def start(j, b):
        ibuf, vbuf, vs = bufs[b]
        off = base + j * CG
        pltpu.async_copy(val_hbm.at[pl.ds(off, CG)], vbuf, vs)
        pltpu.sync_copy(src_hbm.at[pl.ds(off, CG)], ibuf)

    def finish(j, b):
        ibuf, vbuf, vs = bufs[b]
        off = base + j * CG
        pltpu.make_async_copy(val_hbm.at[pl.ds(off, CG)], vbuf, vs).wait()
        pltpu.sync_copy(vbuf, acc_sh.at[ibuf], add=True)

    start(0, 0)

    def chunk(j, carry):
        @pl.when(lax.rem(j, 2) == 0)
        def _():
            @pl.when(j + 1 < NCHUNK)
            def _():
                start(j + 1, 1)
            finish(j, 0)

        @pl.when(lax.rem(j, 2) == 1)
        def _():
            @pl.when(j + 1 < NCHUNK)
            def _():
                start(j + 1, 0)
            finish(j, 1)
        return carry

    lax.fori_loop(0, NCHUNK, chunk, 0)
    plsc.subcore_barrier()

    @pl.when(s == 0)
    def _():
        pltpu.sync_copy(acc_sh, out_ref.at[c])


def _sc_den_body(ex_hbm, src_hbm, z8_hbm, den_out,
                 ibuf0, ebuf0, es0, ibuf1, ebuf1, es1, den_loc):
    c = lax.axis_index("c")
    s = lax.axis_index("s")
    w = s * NC + c
    base = w * EW
    bufs = ((ibuf0, ebuf0, es0), (ibuf1, ebuf1, es1))

    pltpu.sync_copy(z8_hbm, den_loc)
    lanes = lax.iota(jnp.int32, 16)
    colv = lax.rem(lanes, 8)
    mlo = lanes < 8
    mhi = lanes >= 8
    pair0 = lax.shift_right_logical(lanes, 3)

    def start(j, b):
        ibuf, ebuf, es = bufs[b]
        off = base + j * CG
        pltpu.async_copy(ex_hbm.at[pl.ds(off * H, CG * H)], ebuf, es)
        pltpu.sync_copy(src_hbm.at[pl.ds(off, CG)], ibuf)

    def finish(j, b):
        ibuf, ebuf, es = bufs[b]
        off = base + j * CG
        pltpu.make_async_copy(
            ex_hbm.at[pl.ds(off * H, CG * H)], ebuf, es).wait()

        def sub(i, pidx):
            rows = plsc.load_gather(ibuf, [pidx])
            addr = lax.shift_left(rows, 3) + colv
            val = ebuf[pl.ds(i * 16, 16)]
            plsc.addupdate_scatter(den_loc, [addr], val, mask=mlo)
            plsc.addupdate_scatter(den_loc, [addr], val, mask=mhi)
            return pidx + 2

        lax.fori_loop(0, SUB, sub, pair0)

    start(0, 0)

    def chunk(j, carry):
        @pl.when(lax.rem(j, 2) == 0)
        def _():
            @pl.when(j + 1 < NCHUNK)
            def _():
                start(j + 1, 1)
            finish(j, 0)

        @pl.when(lax.rem(j, 2) == 1)
        def _():
            @pl.when(j + 1 < NCHUNK)
            def _():
                start(j + 1, 0)
            finish(j, 1)
        return carry

    lax.fori_loop(0, NCHUNK, chunk, 0)
    pltpu.sync_copy(den_loc, den_out.at[w])



def kernel(node_tensors, edge_tensors, edge_index,
           Wnq, bnq, Wnk, bnk, Wnv, bnv,
           Weq, beq, Wek, bek, Wev, bev, Wout, bout):
    src = edge_index[0]
    dst = edge_index[1]
    mesh = _sc_mesh()

    nq, nkv = pl.pallas_call(
        _nodeproj_body,
        grid=(N // BN,),
        in_specs=[
            pl.BlockSpec((BN, D), lambda i: (i, 0)),
            pl.BlockSpec((D, D), lambda i: (0, 0)),
            pl.BlockSpec((1, D), lambda i: (0, 0)),
            pl.BlockSpec((D, D), lambda i: (0, 0)),
            pl.BlockSpec((1, D), lambda i: (0, 0)),
            pl.BlockSpec((D, D), lambda i: (0, 0)),
            pl.BlockSpec((1, D), lambda i: (0, 0)),
        ],
        out_specs=[
            pl.BlockSpec((BN, D), lambda i: (i, 0)),
            pl.BlockSpec((BN, 2 * D), lambda i: (i, 0)),
        ],
        out_shape=[
            jax.ShapeDtypeStruct((N, D), f32),
            jax.ShapeDtypeStruct((N, 2 * D), f32),
        ],
    )(node_tensors, Wnq, bnq.reshape(1, D), Wnk, bnk.reshape(1, D),
      Wnv, bnv.reshape(1, D))

    qg, kvg = pl.kernel(
        _sc_gather_body,
        out_type=[
            jax.ShapeDtypeStruct((E, D), f32),
            jax.ShapeDtypeStruct((E, 2 * D), f32),
        ],
        mesh=mesh,
        compiler_params=pltpu.CompilerParams(needs_layout_passes=False),
        scratch_types=[
            pltpu.VMEM((CG,), jnp.int32),
            pltpu.VMEM((CG,), jnp.int32),
            pltpu.VMEM((CG, D), f32),
            pltpu.VMEM((CG, 2 * D), f32),
            pltpu.SemaphoreType.DMA,
            pltpu.SemaphoreType.DMA,
            pltpu.VMEM((CG,), jnp.int32),
            pltpu.VMEM((CG,), jnp.int32),
            pltpu.VMEM((CG, D), f32),
            pltpu.VMEM((CG, 2 * D), f32),
            pltpu.SemaphoreType.DMA,
            pltpu.SemaphoreType.DMA,
        ],
    )(nq, nkv, src, dst)

    zeros128 = jnp.zeros((N, D), f32)
    zeros8 = jnp.zeros((N * H,), f32)

    msg, ex8 = pl.pallas_call(
        _edge_body,
        grid=(E // BE,),
        in_specs=[
            pl.BlockSpec((BE, ED), lambda i: (i, 0)),
            pl.BlockSpec((BE, D), lambda i: (i, 0)),
            pl.BlockSpec((BE, 2 * D), lambda i: (i, 0)),
            pl.BlockSpec((ED, D), lambda i: (0, 0)),
            pl.BlockSpec((1, D), lambda i: (0, 0)),
            pl.BlockSpec((ED, D), lambda i: (0, 0)),
            pl.BlockSpec((1, D), lambda i: (0, 0)),
            pl.BlockSpec((ED, D), lambda i: (0, 0)),
            pl.BlockSpec((1, D), lambda i: (0, 0)),
        ],
        out_specs=[
            pl.BlockSpec((BE, D), lambda i: (i, 0)),
            pl.BlockSpec((BE, H), lambda i: (i, 0)),
        ],
        out_shape=[
            jax.ShapeDtypeStruct((E, D), f32),
            jax.ShapeDtypeStruct((E, H), f32),
        ],
    )(edge_tensors, qg, kvg, Weq, beq.reshape(1, D), Wek, bek.reshape(1, D),
      Wev, bev.reshape(1, D))

    agg_parts = pl.kernel(
        _sc_scatter_body,
        out_type=jax.ShapeDtypeStruct((NC, N, D), f32),
        mesh=mesh,
        compiler_params=pltpu.CompilerParams(needs_layout_passes=False),
        scratch_types=[
            pltpu.VMEM((CG,), jnp.int32),
            pltpu.VMEM((CG, D), f32),
            pltpu.SemaphoreType.DMA,
            pltpu.VMEM((CG,), jnp.int32),
            pltpu.VMEM((CG, D), f32),
            pltpu.SemaphoreType.DMA,
            pltpu.VMEM_SHARED((N, D), f32),
        ],
    )(msg, src, zeros128)

    den_parts = pl.kernel(
        _sc_den_body,
        out_type=jax.ShapeDtypeStruct((NW, N * H), f32),
        mesh=mesh,
        compiler_params=pltpu.CompilerParams(needs_layout_passes=False),
        scratch_types=[
            pltpu.VMEM((CG,), jnp.int32),
            pltpu.VMEM((CG * H,), f32),
            pltpu.SemaphoreType.DMA,
            pltpu.VMEM((CG,), jnp.int32),
            pltpu.VMEM((CG * H,), f32),
            pltpu.SemaphoreType.DMA,
            pltpu.VMEM((N * H,), f32),
        ],
    )(ex8.reshape(E * H), src, zeros8)
    den_t = den_parts.reshape(NW, N, H).transpose(1, 0, 2).reshape(N, NW * H)

    out = pl.pallas_call(
        _outproj_body,
        grid=(N // BN,),
        in_specs=[
            pl.BlockSpec((BN, D), lambda i: (i, 0)),
            pl.BlockSpec((BN, D), lambda i: (i, 0)),
            pl.BlockSpec((BN, NW * H), lambda i: (i, 0)),
            pl.BlockSpec((D, D), lambda i: (0, 0)),
            pl.BlockSpec((1, D), lambda i: (0, 0)),
        ],
        out_specs=pl.BlockSpec((BN, D), lambda i: (i, 0)),
        out_shape=jax.ShapeDtypeStruct((N, D), f32),
    )(agg_parts[0], agg_parts[1], den_t, Wout, bout.reshape(1, D))

    return out

# --- scband reference (transcript-rebuilt; emitter-appended) ---
"""Pipeline reference for scband-lpmodel-75694503624797 (READ-ONLY COPY).

The authoritative reference and input builder live on the scoring server;
editing this copy changes nothing except your own understanding.
"""

import jax, jax.numpy as jnp
import numpy as np

N = 10000
E = 320000
NODE_DIM = 128
EDGE_DIM = 16
H = 8
DH = NODE_DIM // H
SCALE = 1.0 / np.sqrt(DH)


def _lin_params(key, din, dout):
    kw, kb = jax.random.split(key)
    w = jax.random.normal(kw, (din, dout), jnp.float32) * (1.0 / np.sqrt(din))
    b = jax.random.normal(kb, (dout,), jnp.float32) * 0.01
    return w, b


def setup_inputs(seed: int = 0):
    key = jax.random.key(seed)
    ks = jax.random.split(key, 12)
    node_tensors = jax.random.normal(ks[0], (N, NODE_DIM), jnp.float32)
    edge_tensors = jax.random.normal(ks[1], (E, EDGE_DIM), jnp.float32)
    edge_index = jax.random.randint(ks[2], (2, E), 0, N, dtype=jnp.int32)
    Wnq, bnq = _lin_params(ks[3], NODE_DIM, NODE_DIM)
    Wnk, bnk = _lin_params(ks[4], NODE_DIM, NODE_DIM)
    Wnv, bnv = _lin_params(ks[5], NODE_DIM, NODE_DIM)
    Weq, beq = _lin_params(ks[6], EDGE_DIM, NODE_DIM)
    Wek, bek = _lin_params(ks[7], EDGE_DIM, NODE_DIM)
    Wev, bev = _lin_params(ks[8], EDGE_DIM, NODE_DIM)
    Wout, bout = _lin_params(ks[9], NODE_DIM, NODE_DIM)
    return {"node_tensors": node_tensors, "edge_tensors": edge_tensors, "edge_index": edge_index,
            "Wnq": Wnq, "bnq": bnq, "Wnk": Wnk, "bnk": bnk, "Wnv": Wnv, "bnv": bnv,
            "Weq": Weq, "beq": beq, "Wek": Wek, "bek": bek, "Wev": Wev, "bev": bev,
            "Wout": Wout, "bout": bout}


def _sep(t):
    # [T, D] -> [H, T, DH]  (separate_heads: view + transpose(0,1))
    return t.reshape(t.shape[0], H, DH).transpose(1, 0, 2)


def _node_mha(node_tensors, edge_tensors, edge_index, Wnq, bnq, Wnk, bnk, Wnv, bnv, Weq, beq, Wek, bek, Wev, bev, Wout, bout):
    eQ = _sep(edge_tensors @ Weq + beq)
    eK = _sep(edge_tensors @ Wek + bek)
    eV = _sep(edge_tensors @ Wev + bev)
    nQ = _sep(node_tensors @ Wnq + bnq)
    nK = _sep(node_tensors @ Wnk + bnk)
    nV = _sep(node_tensors @ Wnv + bnv)
    src = edge_index[0]
    dst = edge_index[1]
    Q = eQ + jnp.take(nQ, src, axis=1)
    K = eK + jnp.take(nK, dst, axis=1)
    scores = jnp.sum(Q * K, axis=-1) * SCALE  # [H, E]
    # segment softmax grouped by src node (torch_geometric.utils.softmax)
    m = jax.ops.segment_max(scores.T, src, num_segments=N)  # [N, H]
    m = jax.lax.stop_gradient(m)
    ex = jnp.exp(scores - jnp.take(m, src, axis=0).T)  # [H, E]
    den = jax.ops.segment_sum(ex.T, src, num_segments=N)  # [N, H]
    attn = ex / (jnp.take(den, src, axis=0).T + 1e-16)  # [H, E]
    V = eV + jnp.take(nV, dst, axis=1)  # [H, E, DH]
    msg = (attn[..., None] * V).transpose(1, 0, 2)  # [E, H, DH]
    agg = jax.ops.segment_sum(msg, src, num_segments=N)  # [N, H, DH]
    out = agg.reshape(N, NODE_DIM) @ Wout + bout  # concatenate_heads + out_proj
    return out


def reference(node_tensors, edge_tensors, edge_index, Wnq, bnq, Wnk, bnk, Wnv, bnv, Weq, beq, Wek, bek, Wev, bev, Wout, bout):
    return _node_mha(node_tensors, edge_tensors, edge_index, Wnq, bnq, Wnk, bnk, Wnv, bnv, Weq, beq, Wek, bek, Wev, bev, Wout, bout)

if __name__ == "__main__":
    import jax
    _d = setup_inputs()
    print(jax.jit(kernel)(*tuple(_d.values())))

</pallas_src>

<mosaic_0001>
#map = affine_map<(d0, d1) -> (0, 0)>
#map1 = affine_map<(d0, d1) -> (0)>
module attributes {stable_mosaic.version = 14 : i64} {
  func.func @_sc_gather_body(%arg0: i32, %arg1: i32, %arg2: memref<10000x128xf32, #tpu.memory_space<hbm>>, %arg3: memref<10000x256xf32, #tpu.memory_space<hbm>>, %arg4: memref<320000xi32, #tpu.memory_space<hbm>>, %arg5: memref<320000xi32, #tpu.memory_space<hbm>>, %arg6: memref<320000x128xf32, #tpu.memory_space<hbm>>, %arg7: memref<320000x256xf32, #tpu.memory_space<hbm>>, %arg8: memref<80xi32, #tpu.memory_space<vmem>>, %arg9: memref<80xi32, #tpu.memory_space<vmem>>, %arg10: memref<80x128xf32, #tpu.memory_space<vmem>>, %arg11: memref<80x256xf32, #tpu.memory_space<vmem>>, %arg12: memref<!tpu.dma_semaphore, #tpu.memory_space<semaphore_mem>>, %arg13: memref<!tpu.dma_semaphore, #tpu.memory_space<semaphore_mem>>, %arg14: memref<80xi32, #tpu.memory_space<vmem>>, %arg15: memref<80xi32, #tpu.memory_space<vmem>>, %arg16: memref<80x128xf32, #tpu.memory_space<vmem>>, %arg17: memref<80x256xf32, #tpu.memory_space<vmem>>, %arg18: memref<!tpu.dma_semaphore, #tpu.memory_space<semaphore_mem>>, %arg19: memref<!tpu.dma_semaphore, #tpu.memory_space<semaphore_mem>>) attributes {dimension_semantics = [#tpu.dimension_semantics<core_parallel>, #tpu.dimension_semantics<subcore_parallel>], iteration_bounds = array<i64: 2, 16>, scalar_prefetch = 0 : i64, scratch_operands = 12 : i64, tpu.core_type = #tpu.core_type<sc_vector_subcore>, window_params = [{transform_indices = #map}, {transform_indices = #map}, {transform_indices = #map1}, {transform_indices = #map1}, {transform_indices = #map}, {transform_indices = #map}]} {
    %mul3A = arith.constant 2 : i32
    %mul3A_0 = arith.muli %arg1, %mul3A : i32
    %add3A = arith.addi %mul3A_0, %arg0 : i32
    %mul3A_1 = arith.constant 10000 : i32
    %mul3A_2 = arith.muli %add3A, %mul3A_1 : i32
    %add3A_3 = arith.constant 0 : i32
    %add3A_4 = arith.addi %mul3A_2, %add3A_3 : i32
    "tpu.region"() ({
      %run_scoped3A = tpu.sem_alloc : memref<!tpu.dma_semaphore, #tpu.memory_space<semaphore_mem>>
      %dma_start3A_15 = tpu.memref_slice %arg4[%add3A_4] : memref<320000xi32, #tpu.memory_space<hbm>> -> memref<80xi32, #tpu.memory_space<hbm>>
      %dma_start3A_16 = tpu.memref_slice %arg4[%add3A_4] : memref<320000xi32, #tpu.memory_space<hbm>> -> memref<80xi32, #tpu.memory_space<hbm>>
      tpu.enqueue_dma source(%dma_start3A_16 : memref<80xi32, #tpu.memory_space<hbm>>) target(%arg8 : memref<80xi32, #tpu.memory_space<vmem>>) target_semaphore(%run_scoped3A : memref<!tpu.dma_semaphore, #tpu.memory_space<semaphore_mem>>)
      %dma_wait3A = tpu.memref_slice %arg4[%add3A_4] : memref<320000xi32, #tpu.memory_space<hbm>> -> memref<80xi32, #tpu.memory_space<hbm>>
      %dma_wait3A_17 = tpu.memref_slice %arg4[%add3A_4] : memref<320000xi32, #tpu.memory_space<hbm>> -> memref<80xi32, #tpu.memory_space<hbm>>
      tpu.wait_dma2 semaphore(%run_scoped3A : memref<!tpu.dma_semaphore, #tpu.memory_space<semaphore_mem>>) src(%dma_wait3A_17 : memref<80xi32, #tpu.memory_space<hbm>>) dst(%arg8 : memref<80xi32, #tpu.memory_space<vmem>>)
      tpu.yield
    }) : () -> ()
    "tpu.region"() ({
      %run_scoped3A = tpu.sem_alloc : memref<!tpu.dma_semaphore, #tpu.memory_space<semaphore_mem>>
      %dma_start3A_15 = tpu.memref_slice %arg5[%add3A_4] : memref<320000xi32, #tpu.memory_space<hbm>> -> memref<80xi32, #tpu.memory_space<hbm>>
      %dma_start3A_16 = tpu.memref_slice %arg5[%add3A_4] : memref<320000xi32, #tpu.memory_space<hbm>> -> memref<80xi32, #tpu.memory_space<hbm>>
      tpu.enqueue_dma source(%dma_start3A_16 : memref<80xi32, #tpu.memory_space<hbm>>) target(%arg9 : memref<80xi32, #tpu.memory_space<vmem>>) target_semaphore(%run_scoped3A : memref<!tpu.dma_semaphore, #tpu.memory_space<semaphore_mem>>)
      %dma_wait3A = tpu.memref_slice %arg5[%add3A_4] : memref<320000xi32, #tpu.memory_space<hbm>> -> memref<80xi32, #tpu.memory_space<hbm>>
      %dma_wait3A_17 = tpu.memref_slice %arg5[%add3A_4] : memref<320000xi32, #tpu.memory_space<hbm>> -> memref<80xi32, #tpu.memory_space<hbm>>
      tpu.wait_dma2 semaphore(%run_scoped3A : memref<!tpu.dma_semaphore, #tpu.memory_space<semaphore_mem>>) src(%dma_wait3A_17 : memref<80xi32, #tpu.memory_space<hbm>>) dst(%arg9 : memref<80xi32, #tpu.memory_space<vmem>>)
      tpu.yield
    }) : () -> ()
    %dma_start3A = arith.constant 0 : i32
    %dma_start3A_5 = arith.constant 0 : i32
    %dma_start3A_6 = tpu.memref_slice %arg2[%dma_start3A, %dma_start3A_5] : memref<10000x128xf32, #tpu.memory_space<hbm>> -> memref<10000x128xf32, #tpu.memory_space<hbm>>
    tpu.enqueue_indirect_dma source(%dma_start3A_6 : memref<10000x128xf32, #tpu.memory_space<hbm>>) target(%arg10 : memref<80x128xf32, #tpu.memory_space<vmem>>) offsets(%arg8 : memref<80xi32, #tpu.memory_space<vmem>>) semaphore(%arg12 : memref<!tpu.dma_semaphore, #tpu.memory_space<semaphore_mem>>)
    %dma_start3A_7 = arith.constant 0 : i32
    %dma_start3A_8 = arith.constant 0 : i32
    %dma_start3A_9 = tpu.memref_slice %arg3[%dma_start3A_7, %dma_start3A_8] : memref<10000x256xf32, #tpu.memory_space<hbm>> -> memref<10000x256xf32, #tpu.memory_space<hbm>>
    tpu.enqueue_indirect_dma source(%dma_start3A_9 : memref<10000x256xf32, #tpu.memory_space<hbm>>) target(%arg11 : memref<80x256xf32, #tpu.memory_space<vmem>>) offsets(%arg9 : memref<80xi32, #tpu.memory_space<vmem>>) semaphore(%arg13 : memref<!tpu.dma_semaphore, #tpu.memory_space<semaphore_mem>>)
    %scan3A = arith.constant 0 : i32
    %scan3A_10 = arith.constant 0 : i32
    %scan3A_11 = arith.constant 125 : i32
    %scan3A_12 = arith.addi %scan3A_10, %scan3A_11 : i32
    %scan3A_13 = arith.constant 1 : i32
    scf.for %scan3A_15 = %scan3A_10 to %scan3A_12 step %scan3A_13  : i32 {
      %rem3A = arith.constant 2 : i32
      %rem3A_16 = arith.remsi %scan3A_15, %rem3A : i32
      %eq3A = arith.constant 0 : i32
      %eq3A_17 = arith.cmpi eq, %rem3A_16, %eq3A : i32
      %convert_element_type3A = arith.extui %eq3A_17 : i1 to i32
      %cond3A = arith.constant 0 : i32
      %cond3A_18 = arith.cmpi ne, %convert_element_type3A, %cond3A : i32
      scf.if %cond3A_18 {
        %add3A_26 = arith.constant 1 : i32
        %add3A_27 = arith.addi %scan3A_15, %add3A_26 : i32
        %lt3A = arith.constant 125 : i32
        %lt3A_28 = arith.cmpi slt, %add3A_27, %lt3A : i32
        %convert_element_type3A_29 = arith.extui %lt3A_28 : i1 to i32
        %cond3A_30 = arith.constant 0 : i32
        %cond3A_31 = arith.cmpi ne, %convert_element_type3A_29, %cond3A_30 : i32
        scf.if %cond3A_31 {
          %add3A_40 = arith.constant 1 : i32
          %add3A_41 = arith.addi %scan3A_15, %add3A_40 : i32
          %mul3A_42 = arith.constant 80 : i32
          %mul3A_43 = arith.muli %add3A_41, %mul3A_42 : i32
          %add3A_44 = arith.addi %mul3A_2, %mul3A_43 : i32
          "tpu.region"() ({
            %run_scoped3A = tpu.sem_alloc : memref<!tpu.dma_semaphore, #tpu.memory_space<semaphore_mem>>
            %dma_start3A_51 = tpu.memref_slice %arg4[%add3A_44] : memref<320000xi32, #tpu.memory_space<hbm>> -> memref<80xi32, #tpu.memory_space<hbm>>
            %dma_start3A_52 = tpu.memref_slice %arg4[%add3A_44] : memref<320000xi32, #tpu.memory_space<hbm>> -> memref<80xi32, #tpu.memory_space<hbm>>
            tpu.enqueue_dma source(%dma_start3A_52 : memref<80xi32, #tpu.memory_space<hbm>>) target(%arg14 : memref<80xi32, #tpu.memory_space<vmem>>) target_semaphore(%run_scoped3A : memref<!tpu.dma_semaphore, #tpu.memory_space<semaphore_mem>>)
            %dma_wait3A_53 = tpu.memref_slice %arg4[%add3A_44] : memref<320000xi32, #tpu.memory_space<hbm>> -> memref<80xi32, #tpu.memory_space<hbm>>
            %dma_wait3A_54 = tpu.memref_slice %arg4[%add3A_44] : memref<320000xi32, #tpu.memory_space<hbm>> -> memref<80xi32, #tpu.memory_space<hbm>>
            tpu.wait_dma2 semaphore(%run_scoped3A : memref<!tpu.dma_semaphore, #tpu.memory_space<semaphore_mem>>) src(%dma_wait3A_54 : memref<80xi32, #tpu.memory_space<hbm>>) dst(%arg14 : memref<80xi32, #tpu.memory_space<vmem>>)
            tpu.yield
          }) : () -> ()
          "tpu.region"() ({
            %run_scoped3A = tpu.sem_alloc : memref<!tpu.dma_semaphore, #tpu.memory_space<semaphore_mem>>
            %dma_start3A_51 = tpu.memref_slice %arg5[%add3A_44] : memref<320000xi32, #tpu.memory_space<hbm>> -> memref<80xi32, #tpu.memory_space<hbm>>
            %dma_start3A_52 = tpu.memref_slice %arg5[%add3A_44] : memref<320000xi32, #tpu.memory_space<hbm>> -> memref<80xi32, #tpu.memory_space<hbm>>
            tpu.enqueue_dma source(%dma_start3A_52 : memref<80xi32, #tpu.memory_space<hbm>>) target(%arg15 : memref<80xi32, #tpu.memory_space<vmem>>) target_semaphore(%run_scoped3A : memref<!tpu.dma_semaphore, #tpu.memory_space<semaphore_mem>>)
            %dma_wait3A_53 = tpu.memref_slice %arg5[%add3A_44] : memref<320000xi32, #tpu.memory_space<hbm>> -> memref<80xi32, #tpu.memory_space<hbm>>
            %dma_wait3A_54 = tpu.memref_slice %arg5[%add3A_44] : memref<320000xi32, #tpu.memory_space<hbm>> -> memref<80xi32, #tpu.memory_space<hbm>>
            tpu.wait_dma2 semaphore(%run_scoped3A : memref<!tpu.dma_semaphore, #tpu.memory_space<semaphore_mem>>) src(%dma_wait3A_54 : memref<80xi32, #tpu.memory_space<hbm>>) dst(%arg15 : memref<80xi32, #tpu.memory_space<vmem>>)
            tpu.yield
          }) : () -> ()
          %dma_start3A_45 = arith.constant 0 : i32
          %dma_start3A_46 = arith.constant 0 : i32
          %dma_start3A_47 = tpu.memref_slice %arg2[%dma_start3A_45, %dma_start3A_46] : memref<10000x128xf32, #tpu.memory_space<hbm>> -> memref<10000x128xf32, #tpu.memory_space<hbm>>
          tpu.enqueue_indirect_dma source(%dma_start3A_47 : memref<10000x128xf32, #tpu.memory_space<hbm>>) target(%arg16 : memref<80x128xf32, #tpu.memory_space<vmem>>) offsets(%arg14 : memref<80xi32, #tpu.memory_space<vmem>>) semaphore(%arg18 : memref<!tpu.dma_semaphore, #tpu.memory_space<semaphore_mem>>)
          %dma_start3A_48 = arith.constant 0 : i32
          %dma_start3A_49 = arith.constant 0 : i32
          %dma_start3A_50 = tpu.memref_slice %arg3[%dma_start3A_48, %dma_start3A_49] : memref<10000x256xf32, #tpu.memory_space<hbm>> -> memref<10000x256xf32, #tpu.memory_space<hbm>>
          tpu.enqueue_indirect_dma source(%dma_start3A_50 : memref<10000x256xf32, #tpu.memory_space<hbm>>) target(%arg17 : memref<80x256xf32, #tpu.memory_space<vmem>>) offsets(%arg15 : memref<80xi32, #tpu.memory_space<vmem>>) semaphore(%arg19 : memref<!tpu.dma_semaphore, #tpu.memory_space<semaphore_mem>>)
        } else {
        }
        %mul3A_32 = arith.constant 80 : i32
        %mul3A_33 = arith.muli %scan3A_15, %mul3A_32 : i32
        %add3A_34 = arith.addi %mul3A_2, %mul3A_33 : i32
        %dma_wait3A = arith.constant 0 : i32
        %dma_wait3A_35 = arith.constant 0 : i32
        %dma_wait3A_36 = tpu.memref_slice %arg2[%dma_wait3A, %dma_wait3A_35] : memref<10000x128xf32, #tpu.memory_space<hbm>> -> memref<10000x128xf32, #tpu.memory_space<hbm>>
        tpu.wait_indirect_dma semaphore(%arg12 : memref<!tpu.dma_semaphore, #tpu.memory_space<semaphore_mem>>) src(%dma_wait3A_36 : memref<10000x128xf32, #tpu.memory_space<hbm>>) dst(%arg10 : memref<80x128xf32, #tpu.memory_space<vmem>>)
        %dma_wait3A_37 = arith.constant 0 : i32
        %dma_wait3A_38 = arith.constant 0 : i32
        %dma_wait3A_39 = tpu.memref_slice %arg3[%dma_wait3A_37, %dma_wait3A_38] : memref<10000x256xf32, #tpu.memory_space<hbm>> -> memref<10000x256xf32, #tpu.memory_space<hbm>>
        tpu.wait_indirect_dma semaphore(%arg13 : memref<!tpu.dma_semaphore, #tpu.memory_space<semaphore_mem>>) src(%dma_wait3A_39 : memref<10000x256xf32, #tpu.memory_space<hbm>>) dst(%arg11 : memref<80x256xf32, #tpu.memory_space<vmem>>)
        "tpu.region"() ({
          %run_scoped3A = tpu.sem_alloc : memref<!tpu.dma_semaphore, #tpu.memory_space<semaphore_mem>>
          %dma_start3A_40 = arith.constant 0 : i32
          %dma_start3A_41 = tpu.memref_slice %arg6[%add3A_34, %dma_start3A_40] : memref<320000x128xf32, #tpu.memory_space<hbm>> -> memref<80x128xf32, #tpu.memory_space<hbm>>
          %dma_start3A_42 = arith.constant 0 : i32
          %dma_start3A_43 = tpu.memref_slice %arg6[%add3A_34, %dma_start3A_42] : memref<320000x128xf32, #tpu.memory_space<hbm>> -> memref<80x128xf32, #tpu.memory_space<hbm>>
          tpu.enqueue_dma source(%arg10 : memref<80x128xf32, #tpu.memory_space<vmem>>) target(%dma_start3A_43 : memref<80x128xf32, #tpu.memory_space<hbm>>) target_semaphore(%run_scoped3A : memref<!tpu.dma_semaphore, #tpu.memory_space<semaphore_mem>>)
          %dma_wait3A_44 = arith.constant 0 : i32
          %dma_wait3A_45 = tpu.memref_slice %arg6[%add3A_34, %dma_wait3A_44] : memref<320000x128xf32, #tpu.memory_space<hbm>> -> memref<80x128xf32, #tpu.memory_space<hbm>>
          %dma_wait3A_46 = arith.constant 0 : i32
          %dma_wait3A_47 = tpu.memref_slice %arg6[%add3A_34, %dma_wait3A_46] : memref<320000x128xf32, #tpu.memory_space<hbm>> -> memref<80x128xf32, #tpu.memory_space<hbm>>
          tpu.wait_dma2 semaphore(%run_scoped3A : memref<!tpu.dma_semaphore, #tpu.memory_space<semaphore_mem>>) src(%arg10 : memref<80x128xf32, #tpu.memory_space<vmem>>) dst(%dma_wait3A_47 : memref<80x128xf32, #tpu.memory_space<hbm>>)
          tpu.yield
        }) : () -> ()
        "tpu.region"() ({
          %run_scoped3A = tpu.sem_alloc : memref<!tpu.dma_semaphore, #tpu.memory_space<semaphore_mem>>
          %dma_start3A_40 = arith.constant 0 : i32
          %dma_start3A_41 = tpu.memref_slice %arg7[%add3A_34, %dma_start3A_40] : memref<320000x256xf32, #tpu.memory_space<hbm>> -> memref<80x256xf32, #tpu.memory_space<hbm>>
          %dma_start3A_42 = arith.constant 0 : i32
          %dma_start3A_43 = tpu.memref_slice %arg7[%add3A_34, %dma_start3A_42] : memref<320000x256xf32, #tpu.memory_space<hbm>> -> memref<80x256xf32, #tpu.memory_space<hbm>>
          tpu.enqueue_dma source(%arg11 : memref<80x256xf32, #tpu.memory_space<vmem>>) target(%dma_start3A_43 : memref<80x256xf32, #tpu.memory_space<hbm>>) target_semaphore(%run_scoped3A : memref<!tpu.dma_semaphore, #tpu.memory_space<semaphore_mem>>)
          %dma_wait3A_44 = arith.constant 0 : i32
          %dma_wait3A_45 = tpu.memref_slice %arg7[%add3A_34, %dma_wait3A_44] : memref<320000x256xf32, #tpu.memory_space<hbm>> -> memref<80x256xf32, #tpu.memory_space<hbm>>
          %dma_wait3A_46 = arith.constant 0 : i32
          %dma_wait3A_47 = tpu.memref_slice %arg7[%add3A_34, %dma_wait3A_46] : memref<320000x256xf32, #tpu.memory_space<hbm>> -> memref<80x256xf32, #tpu.memory_space<hbm>>
          tpu.wait_dma2 semaphore(%run_scoped3A : memref<!tpu.dma_semaphore, #tpu.memory_space<semaphore_mem>>) src(%arg11 : memref<80x256xf32, #tpu.memory_space<vmem>>) dst(%dma_wait3A_47 : memref<80x256xf32, #tpu.memory_space<hbm>>)
          tpu.yield
        }) : () -> ()
      } else {
      }
      %rem3A_19 = arith.constant 2 : i32
      %rem3A_20 = arith.remsi %scan3A_15, %rem3A_19 : i32
      %eq3A_21 = arith.constant 1 : i32
      %eq3A_22 = arith.cmpi eq, %rem3A_20, %eq3A_21 : i32
      %convert_element_type3A_23 = arith.extui %eq3A_22 : i1 to i32
      %cond3A_24 = arith.constant 0 : i32
      %cond3A_25 = arith.cmpi ne, %convert_element_type3A_23, %cond3A_24 : i32
      scf.if %cond3A_25 {
        %add3A_26 = arith.constant 1 : i32
        %add3A_27 = arith.addi %scan3A_15, %add3A_26 : i32
        %lt3A = arith.constant 125 : i32
        %lt3A_28 = arith.cmpi slt, %add3A_27, %lt3A : i32
        %convert_element_type3A_29 = arith.extui %lt3A_28 : i1 to i32
        %cond3A_30 = arith.constant 0 : i32
        %cond3A_31 = arith.cmpi ne, %convert_element_type3A_29, %cond3A_30 : i32
        scf.if %cond3A_31 {
          %add3A_40 = arith.constant 1 : i32
          %add3A_41 = arith.addi %scan3A_15, %add3A_40 : i32
          %mul3A_42 = arith.constant 80 : i32
          %mul3A_43 = arith.muli %add3A_41, %mul3A_42 : i32
          %add3A_44 = arith.addi %mul3A_2, %mul3A_43 : i32
          "tpu.region"() ({
            %run_scoped3A = tpu.sem_alloc : memref<!tpu.dma_semaphore, #tpu.memory_space<semaphore_mem>>
            %dma_start3A_51 = tpu.memref_slice %arg4[%add3A_44] : memref<320000xi32, #tpu.memory_space<hbm>> -> memref<80xi32, #tpu.memory_space<hbm>>
            %dma_start3A_52 = tpu.memref_slice %arg4[%add3A_44] : memref<320000xi32, #tpu.memory_space<hbm>> -> memref<80xi32, #tpu.memory_space<hbm>>
            tpu.enqueue_dma source(%dma_start3A_52 : memref<80xi32, #tpu.memory_space<hbm>>) target(%arg8 : memref<80xi32, #tpu.memory_space<vmem>>) target_semaphore(%run_scoped3A : memref<!tpu.dma_semaphore, #tpu.memory_space<semaphore_mem>>)
            %dma_wait3A_53 = tpu.memref_slice %arg4[%add3A_44] : memref<320000xi32, #tpu.memory_space<hbm>> -> memref<80xi32, #tpu.memory_space<hbm>>
            %dma_wait3A_54 = tpu.memref_slice %arg4[%add3A_44] : memref<320000xi32, #tpu.memory_space<hbm>> -> memref<80xi32, #tpu.memory_space<hbm>>
            tpu.wait_dma2 semaphore(%run_scoped3A : memref<!tpu.dma_semaphore, #tpu.memory_space<semaphore_mem>>) src(%dma_wait3A_54 : memref<80xi32, #tpu.memory_space<hbm>>) dst(%arg8 : memref<80xi32, #tpu.memory_space<vmem>>)
            tpu.yield
          }) : () -> ()
          "tpu.region"() ({
            %run_scoped3A = tpu.sem_alloc : memref<!tpu.dma_semaphore, #tpu.memory_space<semaphore_mem>>
            %dma_start3A_51 = tpu.memref_slice %arg5[%add3A_44] : memref<320000xi32, #tpu.memory_space<hbm>> -> memref<80xi32, #tpu.memory_space<hbm>>
            %dma_start3A_52 = tpu.memref_slice %arg5[%add3A_44] : memref<320000xi32, #tpu.memory_space<hbm>> -> memref<80xi32, #tpu.memory_space<hbm>>
            tpu.enqueue_dma source(%dma_start3A_52 : memref<80xi32, #tpu.memory_space<hbm>>) target(%arg9 : memref<80xi32, #tpu.memory_space<vmem>>) target_semaphore(%run_scoped3A : memref<!tpu.dma_semaphore, #tpu.memory_space<semaphore_mem>>)
            %dma_wait3A_53 = tpu.memref_slice %arg5[%add3A_44] : memref<320000xi32, #tpu.memory_space<hbm>> -> memref<80xi32, #tpu.memory_space<hbm>>
            %dma_wait3A_54 = tpu.memref_slice %arg5[%add3A_44] : memref<320000xi32, #tpu.memory_space<hbm>> -> memref<80xi32, #tpu.memory_space<hbm>>
            tpu.wait_dma2 semaphore(%run_scoped3A : memref<!tpu.dma_semaphore, #tpu.memory_space<semaphore_mem>>) src(%dma_wait3A_54 : memref<80xi32, #tpu.memory_space<hbm>>) dst(%arg9 : memref<80xi32, #tpu.memory_space<vmem>>)
            tpu.yield
          }) : () -> ()
          %dma_start3A_45 = arith.constant 0 : i32
          %dma_start3A_46 = arith.constant 0 : i32
          %dma_start3A_47 = tpu.memref_slice %arg2[%dma_start3A_45, %dma_start3A_46] : memref<10000x128xf32, #tpu.memory_space<hbm>> -> memref<10000x128xf32, #tpu.memory_space<hbm>>
          tpu.enqueue_indirect_dma source(%dma_start3A_47 : memref<10000x128xf32, #tpu.memory_space<hbm>>) target(%arg10 : memref<80x128xf32, #tpu.memory_space<vmem>>) offsets(%arg8 : memref<80xi32, #tpu.memory_space<vmem>>) semaphore(%arg12 : memref<!tpu.dma_semaphore, #tpu.memory_space<semaphore_mem>>)
          %dma_start3A_48 = arith.constant 0 : i32
          %dma_start3A_49 = arith.constant 0 : i32
          %dma_start3A_50 = tpu.memref_slice %arg3[%dma_start3A_48, %dma_start3A_49] : memref<10000x256xf32, #tpu.memory_space<hbm>> -> memref<10000x256xf32, #tpu.memory_space<hbm>>
          tpu.enqueue_indirect_dma source(%dma_start3A_50 : memref<10000x256xf32, #tpu.memory_space<hbm>>) target(%arg11 : memref<80x256xf32, #tpu.memory_space<vmem>>) offsets(%arg9 : memref<80xi32, #tpu.memory_space<vmem>>) semaphore(%arg13 : memref<!tpu.dma_semaphore, #tpu.memory_space<semaphore_mem>>)
        } else {
        }
        %mul3A_32 = arith.constant 80 : i32
        %mul3A_33 = arith.muli %scan3A_15, %mul3A_32 : i32
        %add3A_34 = arith.addi %mul3A_2, %mul3A_33 : i32
        %dma_wait3A = arith.constant 0 : i32
        %dma_wait3A_35 = arith.constant 0 : i32
        %dma_wait3A_36 = tpu.memref_slice %arg2[%dma_wait3A, %dma_wait3A_35] : memref<10000x128xf32, #tpu.memory_space<hbm>> -> memref<10000x128xf32, #tpu.memory_space<hbm>>
        tpu.wait_indirect_dma semaphore(%arg18 : memref<!tpu.dma_semaphore, #tpu.memory_space<semaphore_mem>>) src(%dma_wait3A_36 : memref<10000x128xf32, #tpu.memory_space<hbm>>) dst(%arg16 : memref<80x128xf32, #tpu.memory_space<vmem>>)
        %dma_wait3A_37 = arith.constant 0 : i32
        %dma_wait3A_38 = arith.constant 0 : i32
        %dma_wait3A_39 = tpu.memref_slice %arg3[%dma_wait3A_37, %dma_wait3A_38] : memref<10000x256xf32, #tpu.memory_space<hbm>> -> memref<10000x256xf32, #tpu.memory_space<hbm>>
        tpu.wait_indirect_dma semaphore(%arg19 : memref<!tpu.dma_semaphore, #tpu.memory_space<semaphore_mem>>) src(%dma_wait3A_39 : memref<10000x256xf32, #tpu.memory_space<hbm>>) dst(%arg17 : memref<80x256xf32, #tpu.memory_space<vmem>>)
        "tpu.region"() ({
          %run_scoped3A = tpu.sem_alloc : memref<!tpu.dma_semaphore, #tpu.memory_space<semaphore_mem>>
          %dma_start3A_40 = arith.constant 0 : i32
          %dma_start3A_41 = tpu.memref_slice %arg6[%add3A_34, %dma_start3A_40] : memref<320000x128xf32, #tpu.memory_space<hbm>> -> memref<80x128xf32, #tpu.memory_space<hbm>>
          %dma_start3A_42 = arith.constant 0 : i32
          %dma_start3A_43 = tpu.memref_slice %arg6[%add3A_34, %dma_start3A_42] : memref<320000x128xf32, #tpu.memory_space<hbm>> -> memref<80x128xf32, #tpu.memory_space<hbm>>
          tpu.enqueue_dma source(%arg16 : memref<80x128xf32, #tpu.memory_space<vmem>>) target(%dma_start3A_43 : memref<80x128xf32, #tpu.memory_space<hbm>>) target_semaphore(%run_scoped3A : memref<!tpu.dma_semaphore, #tpu.memory_space<semaphore_mem>>)
          %dma_wait3A_44 = arith.constant 0 : i32
          %dma_wait3A_45 = tpu.memref_slice %arg6[%add3A_34, %dma_wait3A_44] : memref<320000x128xf32, #tpu.memory_space<hbm>> -> memref<80x128xf32, #tpu.memory_space<hbm>>
          %dma_wait3A_46 = arith.constant 0 : i32
          %dma_wait3A_47 = tpu.memref_slice %arg6[%add3A_34, %dma_wait3A_46] : memref<320000x128xf32, #tpu.memory_space<hbm>> -> memref<80x128xf32, #tpu.memory_space<hbm>>
          tpu.wait_dma2 semaphore(%run_scoped3A : memref<!tpu.dma_semaphore, #tpu.memory_space<semaphore_mem>>) src(%arg16 : memref<80x128xf32, #tpu.memory_space<vmem>>) dst(%dma_wait3A_47 : memref<80x128xf32, #tpu.memory_space<hbm>>)
          tpu.yield
        }) : () -> ()
        "tpu.region"() ({
          %run_scoped3A = tpu.sem_alloc : memref<!tpu.dma_semaphore, #tpu.memory_space<semaphore_mem>>
          %dma_start3A_40 = arith.constant 0 : i32
          %dma_start3A_41 = tpu.memref_slice %arg7[%add3A_34, %dma_start3A_40] : memref<320000x256xf32, #tpu.memory_space<hbm>> -> memref<80x256xf32, #tpu.memory_space<hbm>>
          %dma_start3A_42 = arith.constant 0 : i32
          %dma_start3A_43 = tpu.memref_slice %arg7[%add3A_34, %dma_start3A_42] : memref<320000x256xf32, #tpu.memory_space<hbm>> -> memref<80x256xf32, #tpu.memory_space<hbm>>
          tpu.enqueue_dma source(%arg17 : memref<80x256xf32, #tpu.memory_space<vmem>>) target(%dma_start3A_43 : memref<80x256xf32, #tpu.memory_space<hbm>>) target_semaphore(%run_scoped3A : memref<!tpu.dma_semaphore, #tpu.memory_space<semaphore_mem>>)
          %dma_wait3A_44 = arith.constant 0 : i32
          %dma_wait3A_45 = tpu.memref_slice %arg7[%add3A_34, %dma_wait3A_44] : memref<320000x256xf32, #tpu.memory_space<hbm>> -> memref<80x256xf32, #tpu.memory_space<hbm>>
          %dma_wait3A_46 = arith.constant 0 : i32
          %dma_wait3A_47 = tpu.memref_slice %arg7[%add3A_34, %dma_wait3A_46] : memref<320000x256xf32, #tpu.memory_space<hbm>> -> memref<80x256xf32, #tpu.memory_space<hbm>>
          tpu.wait_dma2 semaphore(%run_scoped3A : memref<!tpu.dma_semaphore, #tpu.memory_space<semaphore_mem>>) src(%arg17 : memref<80x256xf32, #tpu.memory_space<vmem>>) dst(%dma_wait3A_47 : memref<80x256xf32, #tpu.memory_space<hbm>>)
          tpu.yield
        }) : () -> ()
      } else {
      }
    }
    %scan3A_14 = arith.constant 125 : i32
    return
  }
}

#map = affine_map<(d0, d1) -> (0)>
#map1 = affine_map<(d0, d1) -> (0, 0)>
module attributes {stable_mosaic.version = 14 : i64} {
  func.func @_sc_den_body(%arg0: i32, %arg1: i32, %arg2: memref<2560000xf32, #tpu.memory_space<hbm>>, %arg3: memref<320000xi32, #tpu.memory_space<hbm>>, %arg4: memref<80000xf32, #tpu.memory_space<hbm>>, %arg5: memref<32x80000xf32, #tpu.memory_space<hbm>>, %arg6: memref<80xi32, #tpu.memory_space<vmem>>, %arg7: memref<640xf32, #tpu.memory_space<vmem>>, %arg8: memref<!tpu.dma_semaphore, #tpu.memory_space<semaphore_mem>>, %arg9: memref<80xi32, #tpu.memory_space<vmem>>, %arg10: memref<640xf32, #tpu.memory_space<vmem>>, %arg11: memref<!tpu.dma_semaphore, #tpu.memory_space<semaphore_mem>>, %arg12: memref<80000xf32, #tpu.memory_space<vmem>>) attributes {dimension_semantics = [#tpu.dimension_semantics<core_parallel>, #tpu.dimension_semantics<subcore_parallel>], iteration_bounds = array<i64: 2, 16>, scalar_prefetch = 0 : i64, scratch_operands = 7 : i64, tpu.core_type = #tpu.core_type<sc_vector_subcore>, window_params = [{transform_indices = #map}, {transform_indices = #map}, {transform_indices = #map}, {transform_indices = #map1}]} {
    %mul3A = arith.constant 2 : i32
    %mul3A_0 = arith.muli %arg1, %mul3A : i32
    %add3A = arith.addi %mul3A_0, %arg0 : i32
    %mul3A_1 = arith.constant 10000 : i32
    %mul3A_2 = arith.muli %add3A, %mul3A_1 : i32
    "tpu.region"() ({
      %run_scoped3A = tpu.sem_alloc : memref<!tpu.dma_semaphore, #tpu.memory_space<semaphore_mem>>
      tpu.enqueue_dma source(%arg4 : memref<80000xf32, #tpu.memory_space<hbm>>) target(%arg12 : memref<80000xf32, #tpu.memory_space<vmem>>) target_semaphore(%run_scoped3A : memref<!tpu.dma_semaphore, #tpu.memory_space<semaphore_mem>>)
      tpu.wait_dma2 semaphore(%run_scoped3A : memref<!tpu.dma_semaphore, #tpu.memory_space<semaphore_mem>>) src(%arg4 : memref<80000xf32, #tpu.memory_space<hbm>>) dst(%arg12 : memref<80000xf32, #tpu.memory_space<vmem>>)
      tpu.yield
    }) : () -> ()
    %iota3A = tpu.iota {dimensions = array<i32: 0>} : vector<16xi32>
    %rem3A = arith.constant 8 : i32
    %rem3A_3 = vector.broadcast %rem3A : i32 to vector<16xi32>
    %rem3A_4 = arith.remsi %iota3A, %rem3A_3 : vector<16xi32>
    %lt3A = arith.constant 8 : i32
    %lt3A_5 = vector.broadcast %lt3A : i32 to vector<16xi32>
    %lt3A_6 = arith.cmpi slt, %iota3A, %lt3A_5 : vector<16xi32>
    %ge3A = arith.constant 8 : i32
    %ge3A_7 = vector.broadcast %ge3A : i32 to vector<16xi32>
    %ge3A_8 = arith.cmpi sge, %iota3A, %ge3A_7 : vector<16xi32>
    %shift_right_logical3A = arith.constant 3 : i32
    %shift_right_logical3A_9 = vector.broadcast %shift_right_logical3A : i32 to vector<16xi32>
    %shift_right_logical3A_10 = arith.shrui %iota3A, %shift_right_logical3A_9 : vector<16xi32>
    %add3A_11 = arith.constant 0 : i32
    %add3A_12 = arith.addi %mul3A_2, %add3A_11 : i32
    %mul3A_13 = arith.constant 8 : i32
    %mul3A_14 = arith.muli %add3A_12, %mul3A_13 : i32
    %dma_start3A = tpu.memref_slice %arg2[%mul3A_14] : memref<2560000xf32, #tpu.memory_space<hbm>> -> memref<640xf32, #tpu.memory_space<hbm>>
    %dma_start3A_15 = tpu.memref_slice %arg2[%mul3A_14] : memref<2560000xf32, #tpu.memory_space<hbm>> -> memref<640xf32, #tpu.memory_space<hbm>>
    tpu.enqueue_dma source(%dma_start3A_15 : memref<640xf32, #tpu.memory_space<hbm>>) target(%arg7 : memref<640xf32, #tpu.memory_space<vmem>>) target_semaphore(%arg8 : memref<!tpu.dma_semaphore, #tpu.memory_space<semaphore_mem>>)
    "tpu.region"() ({
      %run_scoped3A = tpu.sem_alloc : memref<!tpu.dma_semaphore, #tpu.memory_space<semaphore_mem>>
      %dma_start3A_21 = tpu.memref_slice %arg3[%add3A_12] : memref<320000xi32, #tpu.memory_space<hbm>> -> memref<80xi32, #tpu.memory_space<hbm>>
      %dma_start3A_22 = tpu.memref_slice %arg3[%add3A_12] : memref<320000xi32, #tpu.memory_space<hbm>> -> memref<80xi32, #tpu.memory_space<hbm>>
      tpu.enqueue_dma source(%dma_start3A_22 : memref<80xi32, #tpu.memory_space<hbm>>) target(%arg6 : memref<80xi32, #tpu.memory_space<vmem>>) target_semaphore(%run_scoped3A : memref<!tpu.dma_semaphore, #tpu.memory_space<semaphore_mem>>)
      %dma_wait3A = tpu.memref_slice %arg3[%add3A_12] : memref<320000xi32, #tpu.memory_space<hbm>> -> memref<80xi32, #tpu.memory_space<hbm>>
      %dma_wait3A_23 = tpu.memref_slice %arg3[%add3A_12] : memref<320000xi32, #tpu.memory_space<hbm>> -> memref<80xi32, #tpu.memory_space<hbm>>
      tpu.wait_dma2 semaphore(%run_scoped3A : memref<!tpu.dma_semaphore, #tpu.memory_space<semaphore_mem>>) src(%dma_wait3A_23 : memref<80xi32, #tpu.memory_space<hbm>>) dst(%arg6 : memref<80xi32, #tpu.memory_space<vmem>>)
      tpu.yield
    }) : () -> ()
    %scan3A = arith.constant 0 : i32
    %scan3A_16 = arith.constant 0 : i32
    %scan3A_17 = arith.constant 125 : i32
    %scan3A_18 = arith.addi %scan3A_16, %scan3A_17 : i32
    %scan3A_19 = arith.constant 1 : i32
    scf.for %scan3A_21 = %scan3A_16 to %scan3A_18 step %scan3A_19  : i32 {
      %rem3A_22 = arith.constant 2 : i32
      %rem3A_23 = arith.remsi %scan3A_21, %rem3A_22 : i32
      %eq3A = arith.constant 0 : i32
      %eq3A_24 = arith.cmpi eq, %rem3A_23, %eq3A : i32
      %convert_element_type3A = arith.extui %eq3A_24 : i1 to i32
      %cond3A = arith.constant 0 : i32
      %cond3A_25 = arith.cmpi ne, %convert_element_type3A, %cond3A : i32
      scf.if %cond3A_25 {
        %add3A_33 = arith.constant 1 : i32
        %add3A_34 = arith.addi %scan3A_21, %add3A_33 : i32
        %lt3A_35 = arith.constant 125 : i32
        %lt3A_36 = arith.cmpi slt, %add3A_34, %lt3A_35 : i32
        %convert_element_type3A_37 = arith.extui %lt3A_36 : i1 to i32
        %cond3A_38 = arith.constant 0 : i32
        %cond3A_39 = arith.cmpi ne, %convert_element_type3A_37, %cond3A_38 : i32
        scf.if %cond3A_39 {
          %add3A_52 = arith.constant 1 : i32
          %add3A_53 = arith.addi %scan3A_21, %add3A_52 : i32
          %mul3A_54 = arith.constant 80 : i32
          %mul3A_55 = arith.muli %add3A_53, %mul3A_54 : i32
          %add3A_56 = arith.addi %mul3A_2, %mul3A_55 : i32
          %mul3A_57 = arith.constant 8 : i32
          %mul3A_58 = arith.muli %add3A_56, %mul3A_57 : i32
          %dma_start3A_59 = tpu.memref_slice %arg2[%mul3A_58] : memref<2560000xf32, #tpu.memory_space<hbm>> -> memref<640xf32, #tpu.memory_space<hbm>>
          %dma_start3A_60 = tpu.memref_slice %arg2[%mul3A_58] : memref<2560000xf32, #tpu.memory_space<hbm>> -> memref<640xf32, #tpu.memory_space<hbm>>
          tpu.enqueue_dma source(%dma_start3A_60 : memref<640xf32, #tpu.memory_space<hbm>>) target(%arg10 : memref<640xf32, #tpu.memory_space<vmem>>) target_semaphore(%arg11 : memref<!tpu.dma_semaphore, #tpu.memory_space<semaphore_mem>>)
          "tpu.region"() ({
            %run_scoped3A = tpu.sem_alloc : memref<!tpu.dma_semaphore, #tpu.memory_space<semaphore_mem>>
            %dma_start3A_61 = tpu.memref_slice %arg3[%add3A_56] : memref<320000xi32, #tpu.memory_space<hbm>> -> memref<80xi32, #tpu.memory_space<hbm>>
            %dma_start3A_62 = tpu.memref_slice %arg3[%add3A_56] : memref<320000xi32, #tpu.memory_space<hbm>> -> memref<80xi32, #tpu.memory_space<hbm>>
            tpu.enqueue_dma source(%dma_start3A_62 : memref<80xi32, #tpu.memory_space<hbm>>) target(%arg9 : memref<80xi32, #tpu.memory_space<vmem>>) target_semaphore(%run_scoped3A : memref<!tpu.dma_semaphore, #tpu.memory_space<semaphore_mem>>)
            %dma_wait3A_63 = tpu.memref_slice %arg3[%add3A_56] : memref<320000xi32, #tpu.memory_space<hbm>> -> memref<80xi32, #tpu.memory_space<hbm>>
            %dma_wait3A_64 = tpu.memref_slice %arg3[%add3A_56] : memref<320000xi32, #tpu.memory_space<hbm>> -> memref<80xi32, #tpu.memory_space<hbm>>
            tpu.wait_dma2 semaphore(%run_scoped3A : memref<!tpu.dma_semaphore, #tpu.memory_space<semaphore_mem>>) src(%dma_wait3A_64 : memref<80xi32, #tpu.memory_space<hbm>>) dst(%arg9 : memref<80xi32, #tpu.memory_space<vmem>>)
            tpu.yield
          }) : () -> ()
        } else {
        }
        %mul3A_40 = arith.constant 80 : i32
        %mul3A_41 = arith.muli %scan3A_21, %mul3A_40 : i32
        %add3A_42 = arith.addi %mul3A_2, %mul3A_41 : i32
        %mul3A_43 = arith.constant 8 : i32
        %mul3A_44 = arith.muli %add3A_42, %mul3A_43 : i32
        %dma_wait3A = tpu.memref_slice %arg2[%mul3A_44] : memref<2560000xf32, #tpu.memory_space<hbm>> -> memref<640xf32, #tpu.memory_space<hbm>>
        %dma_wait3A_45 = tpu.memref_slice %arg2[%mul3A_44] : memref<2560000xf32, #tpu.memory_space<hbm>> -> memref<640xf32, #tpu.memory_space<hbm>>
        tpu.wait_dma2 semaphore(%arg8 : memref<!tpu.dma_semaphore, #tpu.memory_space<semaphore_mem>>) src(%dma_wait3A_45 : memref<640xf32, #tpu.memory_space<hbm>>) dst(%arg7 : memref<640xf32, #tpu.memory_space<vmem>>)
        %scan3A_46 = arith.constant 0 : i32
        %scan3A_47 = arith.constant 40 : i32
        %scan3A_48 = arith.addi %scan3A_46, %scan3A_47 : i32
        %scan3A_49 = arith.constant 1 : i32
        %scan3A_50 = scf.for %scan3A_52 = %scan3A_46 to %scan3A_48 step %scan3A_49 iter_args(%scan3A_53 = %shift_right_logical3A_10) -> (vector<16xi32>)  : i32 {
          %gather3A = tpu.vector_load_idx %arg6[%scan3A_53] : memref<80xi32, #tpu.memory_space<vmem>>[vector<16xi32>], vector<16xi32>,
          %shift_left3A = arith.constant 3 : i32
          %shift_left3A_54 = vector.broadcast %shift_left3A : i32 to vector<16xi32>
          %shift_left3A_55 = arith.shli %gather3A, %shift_left3A_54 : vector<16xi32>
          %add3A_56 = arith.addi %shift_left3A_55, %rem3A_4 : vector<16xi32>
          %mul3A_57 = arith.constant 16 : i32
          %mul3A_58 = arith.muli %scan3A_52, %mul3A_57 : i32
          %get3A = arith.index_cast %mul3A_58 : i32 to index
          %get3A_59 = tpu.vector_load %arg7[%get3A] {strides = array<i32>} : memref<640xf32, #tpu.memory_space<vmem>>, vector<16xf32>,
          tpu.vector_store_idx %arg12[%add3A_56], %get3A_59 masked %lt3A_6 {add = true} : memref<80000xf32, #tpu.memory_space<vmem>>[vector<16xi32>], vector<16xf32>, vector<16xi1>
          tpu.vector_store_idx %arg12[%add3A_56], %get3A_59 masked %ge3A_8 {add = true} : memref<80000xf32, #tpu.memory_space<vmem>>[vector<16xi32>], vector<16xf32>, vector<16xi1>
          %add3A_60 = arith.constant 2 : i32
          %add3A_61 = vector.broadcast %add3A_60 : i32 to vector<16xi32>
          %add3A_62 = arith.addi %scan3A_53, %add3A_61 : vector<16xi32>
          scf.yield %add3A_62 : vector<16xi32>
        }
        %scan3A_51 = arith.constant 40 : i32
      } else {
      }
      %rem3A_26 = arith.constant 2 : i32
      %rem3A_27 = arith.remsi %scan3A_21, %rem3A_26 : i32
      %eq3A_28 = arith.constant 1 : i32
      %eq3A_29 = arith.cmpi eq, %rem3A_27, %eq3A_28 : i32
      %convert_element_type3A_30 = arith.extui %eq3A_29 : i1 to i32
      %cond3A_31 = arith.constant 0 : i32
      %cond3A_32 = arith.cmpi ne, %convert_element_type3A_30, %cond3A_31 : i32
      scf.if %cond3A_32 {
        %add3A_33 = arith.constant 1 : i32
        %add3A_34 = arith.addi %scan3A_21, %add3A_33 : i32
        %lt3A_35 = arith.constant 125 : i32
        %lt3A_36 = arith.cmpi slt, %add3A_34, %lt3A_35 : i32
        %convert_element_type3A_37 = arith.extui %lt3A_36 : i1 to i32
        %cond3A_38 = arith.constant 0 : i32
        %cond3A_39 = arith.cmpi ne, %convert_element_type3A_37, %cond3A_38 : i32
        scf.if %cond3A_39 {
          %add3A_52 = arith.constant 1 : i32
          %add3A_53 = arith.addi %scan3A_21, %add3A_52 : i32
          %mul3A_54 = arith.constant 80 : i32
          %mul3A_55 = arith.muli %add3A_53, %mul3A_54 : i32
          %add3A_56 = arith.addi %mul3A_2, %mul3A_55 : i32
          %mul3A_57 = arith.constant 8 : i32
          %mul3A_58 = arith.muli %add3A_56, %mul3A_57 : i32
          %dma_start3A_59 = tpu.memref_slice %arg2[%mul3A_58] : memref<2560000xf32, #tpu.memory_space<hbm>> -> memref<640xf32, #tpu.memory_space<hbm>>
          %dma_start3A_60 = tpu.memref_slice %arg2[%mul3A_58] : memref<2560000xf32, #tpu.memory_space<hbm>> -> memref<640xf32, #tpu.memory_space<hbm>>
          tpu.enqueue_dma source(%dma_start3A_60 : memref<640xf32, #tpu.memory_space<hbm>>) target(%arg7 : memref<640xf32, #tpu.memory_space<vmem>>) target_semaphore(%arg8 : memref<!tpu.dma_semaphore, #tpu.memory_space<semaphore_mem>>)
          "tpu.region"() ({
            %run_scoped3A = tpu.sem_alloc : memref<!tpu.dma_semaphore, #tpu.memory_space<semaphore_mem>>
            %dma_start3A_61 = tpu.memref_slice %arg3[%add3A_56] : memref<320000xi32, #tpu.memory_space<hbm>> -> memref<80xi32, #tpu.memory_space<hbm>>
            %dma_start3A_62 = tpu.memref_slice %arg3[%add3A_56] : memref<320000xi32, #tpu.memory_space<hbm>> -> memref<80xi32, #tpu.memory_space<hbm>>
            tpu.enqueue_dma source(%dma_start3A_62 : memref<80xi32, #tpu.memory_space<hbm>>) target(%arg6 : memref<80xi32, #tpu.memory_space<vmem>>) target_semaphore(%run_scoped3A : memref<!tpu.dma_semaphore, #tpu.memory_space<semaphore_mem>>)
            %dma_wait3A_63 = tpu.memref_slice %arg3[%add3A_56] : memref<320000xi32, #tpu.memory_space<hbm>> -> memref<80xi32, #tpu.memory_space<hbm>>
            %dma_wait3A_64 = tpu.memref_slice %arg3[%add3A_56] : memref<320000xi32, #tpu.memory_space<hbm>> -> memref<80xi32, #tpu.memory_space<hbm>>
            tpu.wait_dma2 semaphore(%run_scoped3A : memref<!tpu.dma_semaphore, #tpu.memory_space<semaphore_mem>>) src(%dma_wait3A_64 : memref<80xi32, #tpu.memory_space<hbm>>) dst(%arg6 : memref<80xi32, #tpu.memory_space<vmem>>)
            tpu.yield
          }) : () -> ()
        } else {
        }
        %mul3A_40 = arith.constant 80 : i32
        %mul3A_41 = arith.muli %scan3A_21, %mul3A_40 : i32
        %add3A_42 = arith.addi %mul3A_2, %mul3A_41 : i32
        %mul3A_43 = arith.constant 8 : i32
        %mul3A_44 = arith.muli %add3A_42, %mul3A_43 : i32
        %dma_wait3A = tpu.memref_slice %arg2[%mul3A_44] : memref<2560000xf32, #tpu.memory_space<hbm>> -> memref<640xf32, #tpu.memory_space<hbm>>
        %dma_wait3A_45 = tpu.memref_slice %arg2[%mul3A_44] : memref<2560000xf32, #tpu.memory_space<hbm>> -> memref<640xf32, #tpu.memory_space<hbm>>
        tpu.wait_dma2 semaphore(%arg11 : memref<!tpu.dma_semaphore, #tpu.memory_space<semaphore_mem>>) src(%dma_wait3A_45 : memref<640xf32, #tpu.memory_space<hbm>>) dst(%arg10 : memref<640xf32, #tpu.memory_space<vmem>>)
        %scan3A_46 = arith.constant 0 : i32
        %scan3A_47 = arith.constant 40 : i32
        %scan3A_48 = arith.addi %scan3A_46, %scan3A_47 : i32
        %scan3A_49 = arith.constant 1 : i32
        %scan3A_50 = scf.for %scan3A_52 = %scan3A_46 to %scan3A_48 step %scan3A_49 iter_args(%scan3A_53 = %shift_right_logical3A_10) -> (vector<16xi32>)  : i32 {
          %gather3A = tpu.vector_load_idx %arg9[%scan3A_53] : memref<80xi32, #tpu.memory_space<vmem>>[vector<16xi32>], vector<16xi32>,
          %shift_left3A = arith.constant 3 : i32
          %shift_left3A_54 = vector.broadcast %shift_left3A : i32 to vector<16xi32>
          %shift_left3A_55 = arith.shli %gather3A, %shift_left3A_54 : vector<16xi32>
          %add3A_56 = arith.addi %shift_left3A_55, %rem3A_4 : vector<16xi32>
          %mul3A_57 = arith.constant 16 : i32
          %mul3A_58 = arith.muli %scan3A_52, %mul3A_57 : i32
          %get3A = arith.index_cast %mul3A_58 : i32 to index
          %get3A_59 = tpu.vector_load %arg10[%get3A] {strides = array<i32>} : memref<640xf32, #tpu.memory_space<vmem>>, vector<16xf32>,
          tpu.vector_store_idx %arg12[%add3A_56], %get3A_59 masked %lt3A_6 {add = true} : memref<80000xf32, #tpu.memory_space<vmem>>[vector<16xi32>], vector<16xf32>, vector<16xi1>
          tpu.vector_store_idx %arg12[%add3A_56], %get3A_59 masked %ge3A_8 {add = true} : memref<80000xf32, #tpu.memory_space<vmem>>[vector<16xi32>], vector<16xf32>, vector<16xi1>
          %add3A_60 = arith.constant 2 : i32
          %add3A_61 = vector.broadcast %add3A_60 : i32 to vector<16xi32>
          %add3A_62 = arith.addi %scan3A_53, %add3A_61 : vector<16xi32>
          scf.yield %add3A_62 : vector<16xi32>
        }
        %scan3A_51 = arith.constant 40 : i32
      } else {
      }
    }
    %scan3A_20 = arith.constant 125 : i32
    "tpu.region"() ({
      %run_scoped3A = tpu.sem_alloc : memref<!tpu.dma_semaphore, #tpu.memory_space<semaphore_mem>>
      %dma_start3A_21 = arith.constant 0 : i32
      %dma_start3A_22 = tpu.memref_slice %arg5[%add3A, %dma_start3A_21] : memref<32x80000xf32, #tpu.memory_space<hbm>> -> memref<1x80000xf32, #tpu.memory_space<hbm>>
      %dma_start3A_23 = tpu.memref_squeeze %dma_start3A_22 : memref<1x80000xf32, #tpu.memory_space<hbm>> -> memref<80000xf32, #tpu.memory_space<hbm>>
      %dma_start3A_24 = arith.constant 0 : i32
      %dma_start3A_25 = tpu.memref_slice %arg5[%add3A, %dma_start3A_24] : memref<32x80000xf32, #tpu.memory_space<hbm>> -> memref<1x80000xf32, #tpu.memory_space<hbm>>
      %dma_start3A_26 = tpu.memref_squeeze %dma_start3A_25 : memref<1x80000xf32, #tpu.memory_space<hbm>> -> memref<80000xf32, #tpu.memory_space<hbm>>
      tpu.enqueue_dma source(%arg12 : memref<80000xf32, #tpu.memory_space<vmem>>) target(%dma_start3A_26 : memref<80000xf32, #tpu.memory_space<hbm>>) target_semaphore(%run_scoped3A : memref<!tpu.dma_semaphore, #tpu.memory_space<semaphore_mem>>)
      %dma_wait3A = arith.constant 0 : i32
      %dma_wait3A_27 = tpu.memref_slice %arg5[%add3A, %dma_wait3A] : memref<32x80000xf32, #tpu.memory_space<hbm>> -> memref<1x80000xf32, #tpu.memory_space<hbm>>
      %dma_wait3A_28 = tpu.memref_squeeze %dma_wait3A_27 : memref<1x80000xf32, #tpu.memory_space<hbm>> -> memref<80000xf32, #tpu.memory_space<hbm>>
      %dma_wait3A_29 = arith.constant 0 : i32
      %dma_wait3A_30 = tpu.memref_slice %arg5[%add3A, %dma_wait3A_29] : memref<32x80000xf32, #tpu.memory_space<hbm>> -> memref<1x80000xf32, #tpu.memory_space<hbm>>
      %dma_wait3A_31 = tpu.memref_squeeze %dma_wait3A_30 : memref<1x80000xf32, #tpu.memory_space<hbm>> -> memref<80000xf32, #tpu.memory_space<hbm>>
      tpu.wait_dma2 semaphore(%run_scoped3A : memref<!tpu.dma_semaphore, #tpu.memory_space<semaphore_mem>>) src(%arg12 : memref<80000xf32, #tpu.memory_space<vmem>>) dst(%dma_wait3A_31 : memref<80000xf32, #tpu.memory_space<hbm>>)
      tpu.yield
    }) : () -> ()
    return
  }
}

#map = affine_map<(d0, d1) -> (0, 0)>
#map1 = affine_map<(d0, d1) -> (0)>
#map2 = affine_map<(d0, d1) -> (0, 0, 0)>
module attributes {stable_mosaic.version = 14 : i64} {
  func.func @_sc_scatter_body(%arg0: i32, %arg1: i32, %arg2: memref<320000x128xf32, #tpu.memory_space<hbm>>, %arg3: memref<320000xi32, #tpu.memory_space<hbm>>, %arg4: memref<10000x128xf32, #tpu.memory_space<hbm>>, %arg5: memref<2x10000x128xf32, #tpu.memory_space<hbm>>, %arg6: memref<80xi32, #tpu.memory_space<vmem>>, %arg7: memref<80x128xf32, #tpu.memory_space<vmem>>, %arg8: memref<!tpu.dma_semaphore, #tpu.memory_space<semaphore_mem>>, %arg9: memref<80xi32, #tpu.memory_space<vmem>>, %arg10: memref<80x128xf32, #tpu.memory_space<vmem>>, %arg11: memref<!tpu.dma_semaphore, #tpu.memory_space<semaphore_mem>>, %arg12: memref<10000x128xf32, #tpu.memory_space<vmem_shared>>) attributes {dimension_semantics = [#tpu.dimension_semantics<core_parallel>, #tpu.dimension_semantics<subcore_parallel>], iteration_bounds = array<i64: 2, 16>, scalar_prefetch = 0 : i64, scratch_operands = 7 : i64, tpu.core_type = #tpu.core_type<sc_vector_subcore>, window_params = [{transform_indices = #map}, {transform_indices = #map1}, {transform_indices = #map}, {transform_indices = #map2}]} {
    %mul3A = arith.constant 2 : i32
    %mul3A_0 = arith.muli %arg1, %mul3A : i32
    %add3A = arith.addi %mul3A_0, %arg0 : i32
    %mul3A_1 = arith.constant 10000 : i32
    %mul3A_2 = arith.muli %add3A, %mul3A_1 : i32
    %eq3A = arith.constant 0 : i32
    %eq3A_3 = arith.cmpi eq, %arg1, %eq3A : i32
    %convert_element_type3A = arith.extui %eq3A_3 : i1 to i32
    %cond3A = arith.constant 0 : i32
    %cond3A_4 = arith.cmpi ne, %convert_element_type3A, %cond3A : i32
    scf.if %cond3A_4 {
      "tpu.region"() ({
        %run_scoped3A = tpu.sem_alloc : memref<!tpu.dma_semaphore, #tpu.memory_space<semaphore_mem>>
        tpu.enqueue_dma source(%arg4 : memref<10000x128xf32, #tpu.memory_space<hbm>>) target(%arg12 : memref<10000x128xf32, #tpu.memory_space<vmem_shared>>) target_semaphore(%run_scoped3A : memref<!tpu.dma_semaphore, #tpu.memory_space<semaphore_mem>>)
        tpu.wait_dma2 semaphore(%run_scoped3A : memref<!tpu.dma_semaphore, #tpu.memory_space<semaphore_mem>>) src(%arg4 : memref<10000x128xf32, #tpu.memory_space<hbm>>) dst(%arg12 : memref<10000x128xf32, #tpu.memory_space<vmem_shared>>)
        tpu.yield
      }) : () -> ()
    } else {
    }
    %barrier3A = arith.constant 0 : index
    tpu.barrier barrier_id(%barrier3A)
    %add3A_5 = arith.constant 0 : i32
    %add3A_6 = arith.addi %mul3A_2, %add3A_5 : i32
    %dma_start3A = arith.constant 0 : i32
    %dma_start3A_7 = tpu.memref_slice %arg2[%add3A_6, %dma_start3A] : memref<320000x128xf32, #tpu.memory_space<hbm>> -> memref<80x128xf32, #tpu.memory_space<hbm>>
    %dma_start3A_8 = arith.constant 0 : i32
    %dma_start3A_9 = tpu.memref_slice %arg2[%add3A_6, %dma_start3A_8] : memref<320000x128xf32, #tpu.memory_space<hbm>> -> memref<80x128xf32, #tpu.memory_space<hbm>>
    tpu.enqueue_dma source(%dma_start3A_9 : memref<80x128xf32, #tpu.memory_space<hbm>>) target(%arg7 : memref<80x128xf32, #tpu.memory_space<vmem>>) target_semaphore(%arg8 : memref<!tpu.dma_semaphore, #tpu.memory_space<semaphore_mem>>)
    "tpu.region"() ({
      %run_scoped3A = tpu.sem_alloc : memref<!tpu.dma_semaphore, #tpu.memory_space<semaphore_mem>>
      %dma_start3A_21 = tpu.memref_slice %arg3[%add3A_6] : memref<320000xi32, #tpu.memory_space<hbm>> -> memref<80xi32, #tpu.memory_space<hbm>>
      %dma_start3A_22 = tpu.memref_slice %arg3[%add3A_6] : memref<320000xi32, #tpu.memory_space<hbm>> -> memref<80xi32, #tpu.memory_space<hbm>>
      tpu.enqueue_dma source(%dma_start3A_22 : memref<80xi32, #tpu.memory_space<hbm>>) target(%arg6 : memref<80xi32, #tpu.memory_space<vmem>>) target_semaphore(%run_scoped3A : memref<!tpu.dma_semaphore, #tpu.memory_space<semaphore_mem>>)
      %dma_wait3A = tpu.memref_slice %arg3[%add3A_6] : memref<320000xi32, #tpu.memory_space<hbm>> -> memref<80xi32, #tpu.memory_space<hbm>>
      %dma_wait3A_23 = tpu.memref_slice %arg3[%add3A_6] : memref<320000xi32, #tpu.memory_space<hbm>> -> memref<80xi32, #tpu.memory_space<hbm>>
      tpu.wait_dma2 semaphore(%run_scoped3A : memref<!tpu.dma_semaphore, #tpu.memory_space<semaphore_mem>>) src(%dma_wait3A_23 : memref<80xi32, #tpu.memory_space<hbm>>) dst(%arg6 : memref<80xi32, #tpu.memory_space<vmem>>)
      tpu.yield
    }) : () -> ()
    %scan3A = arith.constant 0 : i32
    %scan3A_10 = arith.constant 0 : i32
    %scan3A_11 = arith.constant 125 : i32
    %scan3A_12 = arith.addi %scan3A_10, %scan3A_11 : i32
    %scan3A_13 = arith.constant 1 : i32
    scf.for %scan3A_21 = %scan3A_10 to %scan3A_12 step %scan3A_13  : i32 {
      %rem3A = arith.constant 2 : i32
      %rem3A_22 = arith.remsi %scan3A_21, %rem3A : i32
      %eq3A_23 = arith.constant 0 : i32
      %eq3A_24 = arith.cmpi eq, %rem3A_22, %eq3A_23 : i32
      %convert_element_type3A_25 = arith.extui %eq3A_24 : i1 to i32
      %cond3A_26 = arith.constant 0 : i32
      %cond3A_27 = arith.cmpi ne, %convert_element_type3A_25, %cond3A_26 : i32
      scf.if %cond3A_27 {
        %add3A_35 = arith.constant 1 : i32
        %add3A_36 = arith.addi %scan3A_21, %add3A_35 : i32
        %lt3A = arith.constant 125 : i32
        %lt3A_37 = arith.cmpi slt, %add3A_36, %lt3A : i32
        %convert_element_type3A_38 = arith.extui %lt3A_37 : i1 to i32
        %cond3A_39 = arith.constant 0 : i32
        %cond3A_40 = arith.cmpi ne, %convert_element_type3A_38, %cond3A_39 : i32
        scf.if %cond3A_40 {
          %add3A_47 = arith.constant 1 : i32
          %add3A_48 = arith.addi %scan3A_21, %add3A_47 : i32
          %mul3A_49 = arith.constant 80 : i32
          %mul3A_50 = arith.muli %add3A_48, %mul3A_49 : i32
          %add3A_51 = arith.addi %mul3A_2, %mul3A_50 : i32
          %dma_start3A_52 = arith.constant 0 : i32
          %dma_start3A_53 = tpu.memref_slice %arg2[%add3A_51, %dma_start3A_52] : memref<320000x128xf32, #tpu.memory_space<hbm>> -> memref<80x128xf32, #tpu.memory_space<hbm>>
          %dma_start3A_54 = arith.constant 0 : i32
          %dma_start3A_55 = tpu.memref_slice %arg2[%add3A_51, %dma_start3A_54] : memref<320000x128xf32, #tpu.memory_space<hbm>> -> memref<80x128xf32, #tpu.memory_space<hbm>>
          tpu.enqueue_dma source(%dma_start3A_55 : memref<80x128xf32, #tpu.memory_space<hbm>>) target(%arg10 : memref<80x128xf32, #tpu.memory_space<vmem>>) target_semaphore(%arg11 : memref<!tpu.dma_semaphore, #tpu.memory_space<semaphore_mem>>)
          "tpu.region"() ({
            %run_scoped3A = tpu.sem_alloc : memref<!tpu.dma_semaphore, #tpu.memory_space<semaphore_mem>>
            %dma_start3A_56 = tpu.memref_slice %arg3[%add3A_51] : memref<320000xi32, #tpu.memory_space<hbm>> -> memref<80xi32, #tpu.memory_space<hbm>>
            %dma_start3A_57 = tpu.memref_slice %arg3[%add3A_51] : memref<320000xi32, #tpu.memory_space<hbm>> -> memref<80xi32, #tpu.memory_space<hbm>>
            tpu.enqueue_dma source(%dma_start3A_57 : memref<80xi32, #tpu.memory_space<hbm>>) target(%arg9 : memref<80xi32, #tpu.memory_space<vmem>>) target_semaphore(%run_scoped3A : memref<!tpu.dma_semaphore, #tpu.memory_space<semaphore_mem>>)
            %dma_wait3A_58 = tpu.memref_slice %arg3[%add3A_51] : memref<320000xi32, #tpu.memory_space<hbm>> -> memref<80xi32, #tpu.memory_space<hbm>>
            %dma_wait3A_59 = tpu.memref_slice %arg3[%add3A_51] : memref<320000xi32, #tpu.memory_space<hbm>> -> memref<80xi32, #tpu.memory_space<hbm>>
            tpu.wait_dma2 semaphore(%run_scoped3A : memref<!tpu.dma_semaphore, #tpu.memory_space<semaphore_mem>>) src(%dma_wait3A_59 : memref<80xi32, #tpu.memory_space<hbm>>) dst(%arg9 : memref<80xi32, #tpu.memory_space<vmem>>)
            tpu.yield
          }) : () -> ()
        } else {
        }
        %mul3A_41 = arith.constant 80 : i32
        %mul3A_42 = arith.muli %scan3A_21, %mul3A_41 : i32
        %add3A_43 = arith.addi %mul3A_2, %mul3A_42 : i32
        %dma_wait3A = arith.constant 0 : i32
        %dma_wait3A_44 = tpu.memref_slice %arg2[%add3A_43, %dma_wait3A] : memref<320000x128xf32, #tpu.memory_space<hbm>> -> memref<80x128xf32, #tpu.memory_space<hbm>>
        %dma_wait3A_45 = arith.constant 0 : i32
        %dma_wait3A_46 = tpu.memref_slice %arg2[%add3A_43, %dma_wait3A_45] : memref<320000x128xf32, #tpu.memory_space<hbm>> -> memref<80x128xf32, #tpu.memory_space<hbm>>
        tpu.wait_dma2 semaphore(%arg8 : memref<!tpu.dma_semaphore, #tpu.memory_space<semaphore_mem>>) src(%dma_wait3A_46 : memref<80x128xf32, #tpu.memory_space<hbm>>) dst(%arg7 : memref<80x128xf32, #tpu.memory_space<vmem>>)
        "tpu.region"() ({
          %run_scoped3A = tpu.sem_alloc : memref<!tpu.dma_semaphore, #tpu.memory_space<semaphore_mem>>
          %dma_start3A_47 = arith.constant 0 : i32
          %dma_start3A_48 = arith.constant 0 : i32
          %dma_start3A_49 = tpu.memref_slice %arg12[%dma_start3A_47, %dma_start3A_48] : memref<10000x128xf32, #tpu.memory_space<vmem_shared>> -> memref<10000x128xf32, #tpu.memory_space<vmem_shared>>
          tpu.enqueue_indirect_dma source(%arg7 : memref<80x128xf32, #tpu.memory_space<vmem>>) target(%dma_start3A_49 : memref<10000x128xf32, #tpu.memory_space<vmem_shared>>) offsets(%arg6 : memref<80xi32, #tpu.memory_space<vmem>>) semaphore(%run_scoped3A : memref<!tpu.dma_semaphore, #tpu.memory_space<semaphore_mem>>) {add = true}
          %dma_wait3A_50 = arith.constant 0 : i32
          %dma_wait3A_51 = arith.constant 0 : i32
          %dma_wait3A_52 = tpu.memref_slice %arg12[%dma_wait3A_50, %dma_wait3A_51] : memref<10000x128xf32, #tpu.memory_space<vmem_shared>> -> memref<10000x128xf32, #tpu.memory_space<vmem_shared>>
          tpu.wait_indirect_dma semaphore(%run_scoped3A : memref<!tpu.dma_semaphore, #tpu.memory_space<semaphore_mem>>) src(%arg7 : memref<80x128xf32, #tpu.memory_space<vmem>>) dst(%dma_wait3A_52 : memref<10000x128xf32, #tpu.memory_space<vmem_shared>>)
          tpu.yield
        }) : () -> ()
      } else {
      }
      %rem3A_28 = arith.constant 2 : i32
      %rem3A_29 = arith.remsi %scan3A_21, %rem3A_28 : i32
      %eq3A_30 = arith.constant 1 : i32
      %eq3A_31 = arith.cmpi eq, %rem3A_29, %eq3A_30 : i32
      %convert_element_type3A_32 = arith.extui %eq3A_31 : i1 to i32
      %cond3A_33 = arith.constant 0 : i32
      %cond3A_34 = arith.cmpi ne, %convert_element_type3A_32, %cond3A_33 : i32
      scf.if %cond3A_34 {
        %add3A_35 = arith.constant 1 : i32
        %add3A_36 = arith.addi %scan3A_21, %add3A_35 : i32
        %lt3A = arith.constant 125 : i32
        %lt3A_37 = arith.cmpi slt, %add3A_36, %lt3A : i32
        %convert_element_type3A_38 = arith.extui %lt3A_37 : i1 to i32
        %cond3A_39 = arith.constant 0 : i32
        %cond3A_40 = arith.cmpi ne, %convert_element_type3A_38, %cond3A_39 : i32
        scf.if %cond3A_40 {
          %add3A_47 = arith.constant 1 : i32
          %add3A_48 = arith.addi %scan3A_21, %add3A_47 : i32
          %mul3A_49 = arith.constant 80 : i32
          %mul3A_50 = arith.muli %add3A_48, %mul3A_49 : i32
          %add3A_51 = arith.addi %mul3A_2, %mul3A_50 : i32
          %dma_start3A_52 = arith.constant 0 : i32
          %dma_start3A_53 = tpu.memref_slice %arg2[%add3A_51, %dma_start3A_52] : memref<320000x128xf32, #tpu.memory_space<hbm>> -> memref<80x128xf32, #tpu.memory_space<hbm>>
          %dma_start3A_54 = arith.constant 0 : i32
          %dma_start3A_55 = tpu.memref_slice %arg2[%add3A_51, %dma_start3A_54] : memref<320000x128xf32, #tpu.memory_space<hbm>> -> memref<80x128xf32, #tpu.memory_space<hbm>>
          tpu.enqueue_dma source(%dma_start3A_55 : memref<80x128xf32, #tpu.memory_space<hbm>>) target(%arg7 : memref<80x128xf32, #tpu.memory_space<vmem>>) target_semaphore(%arg8 : memref<!tpu.dma_semaphore, #tpu.memory_space<semaphore_mem>>)
          "tpu.region"() ({
            %run_scoped3A = tpu.sem_alloc : memref<!tpu.dma_semaphore, #tpu.memory_space<semaphore_mem>>
            %dma_start3A_56 = tpu.memref_slice %arg3[%add3A_51] : memref<320000xi32, #tpu.memory_space<hbm>> -> memref<80xi32, #tpu.memory_space<hbm>>
            %dma_start3A_57 = tpu.memref_slice %arg3[%add3A_51] : memref<320000xi32, #tpu.memory_space<hbm>> -> memref<80xi32, #tpu.memory_space<hbm>>
            tpu.enqueue_dma source(%dma_start3A_57 : memref<80xi32, #tpu.memory_space<hbm>>) target(%arg6 : memref<80xi32, #tpu.memory_space<vmem>>) target_semaphore(%run_scoped3A : memref<!tpu.dma_semaphore, #tpu.memory_space<semaphore_mem>>)
            %dma_wait3A_58 = tpu.memref_slice %arg3[%add3A_51] : memref<320000xi32, #tpu.memory_space<hbm>> -> memref<80xi32, #tpu.memory_space<hbm>>
            %dma_wait3A_59 = tpu.memref_slice %arg3[%add3A_51] : memref<320000xi32, #tpu.memory_space<hbm>> -> memref<80xi32, #tpu.memory_space<hbm>>
            tpu.wait_dma2 semaphore(%run_scoped3A : memref<!tpu.dma_semaphore, #tpu.memory_space<semaphore_mem>>) src(%dma_wait3A_59 : memref<80xi32, #tpu.memory_space<hbm>>) dst(%arg6 : memref<80xi32, #tpu.memory_space<vmem>>)
            tpu.yield
          }) : () -> ()
        } else {
        }
        %mul3A_41 = arith.constant 80 : i32
        %mul3A_42 = arith.muli %scan3A_21, %mul3A_41 : i32
        %add3A_43 = arith.addi %mul3A_2, %mul3A_42 : i32
        %dma_wait3A = arith.constant 0 : i32
        %dma_wait3A_44 = tpu.memref_slice %arg2[%add3A_43, %dma_wait3A] : memref<320000x128xf32, #tpu.memory_space<hbm>> -> memref<80x128xf32, #tpu.memory_space<hbm>>
        %dma_wait3A_45 = arith.constant 0 : i32
        %dma_wait3A_46 = tpu.memref_slice %arg2[%add3A_43, %dma_wait3A_45] : memref<320000x128xf32, #tpu.memory_space<hbm>> -> memref<80x128xf32, #tpu.memory_space<hbm>>
        tpu.wait_dma2 semaphore(%arg11 : memref<!tpu.dma_semaphore, #tpu.memory_space<semaphore_mem>>) src(%dma_wait3A_46 : memref<80x128xf32, #tpu.memory_space<hbm>>) dst(%arg10 : memref<80x128xf32, #tpu.memory_space<vmem>>)
        "tpu.region"() ({
          %run_scoped3A = tpu.sem_alloc : memref<!tpu.dma_semaphore, #tpu.memory_space<semaphore_mem>>
          %dma_start3A_47 = arith.constant 0 : i32
          %dma_start3A_48 = arith.constant 0 : i32
          %dma_start3A_49 = tpu.memref_slice %arg12[%dma_start3A_47, %dma_start3A_48] : memref<10000x128xf32, #tpu.memory_space<vmem_shared>> -> memref<10000x128xf32, #tpu.memory_space<vmem_shared>>
          tpu.enqueue_indirect_dma source(%arg10 : memref<80x128xf32, #tpu.memory_space<vmem>>) target(%dma_start3A_49 : memref<10000x128xf32, #tpu.memory_space<vmem_shared>>) offsets(%arg9 : memref<80xi32, #tpu.memory_space<vmem>>) semaphore(%run_scoped3A : memref<!tpu.dma_semaphore, #tpu.memory_space<semaphore_mem>>) {add = true}
          %dma_wait3A_50 = arith.constant 0 : i32
          %dma_wait3A_51 = arith.constant 0 : i32
          %dma_wait3A_52 = tpu.memref_slice %arg12[%dma_wait3A_50, %dma_wait3A_51] : memref<10000x128xf32, #tpu.memory_space<vmem_shared>> -> memref<10000x128xf32, #tpu.memory_space<vmem_shared>>
          tpu.wait_indirect_dma semaphore(%run_scoped3A : memref<!tpu.dma_semaphore, #tpu.memory_space<semaphore_mem>>) src(%arg10 : memref<80x128xf32, #tpu.memory_space<vmem>>) dst(%dma_wait3A_52 : memref<10000x128xf32, #tpu.memory_space<vmem_shared>>)
          tpu.yield
        }) : () -> ()
      } else {
      }
    }
    %scan3A_14 = arith.constant 125 : i32
    %barrier3A_15 = arith.constant 0 : index
    tpu.barrier barrier_id(%barrier3A_15)
    %eq3A_16 = arith.constant 0 : i32
    %eq3A_17 = arith.cmpi eq, %arg1, %eq3A_16 : i32
    %convert_element_type3A_18 = arith.extui %eq3A_17 : i1 to i32
    %cond3A_19 = arith.constant 0 : i32
    %cond3A_20 = arith.cmpi ne, %convert_element_type3A_18, %cond3A_19 : i32
    scf.if %cond3A_20 {
      "tpu.region"() ({
        %run_scoped3A = tpu.sem_alloc : memref<!tpu.dma_semaphore, #tpu.memory_space<semaphore_mem>>
        %dma_start3A_21 = arith.constant 0 : i32
        %dma_start3A_22 = arith.constant 0 : i32
        %dma_start3A_23 = tpu.memref_slice %arg5[%arg0, %dma_start3A_21, %dma_start3A_22] : memref<2x10000x128xf32, #tpu.memory_space<hbm>> -> memref<1x10000x128xf32, #tpu.memory_space<hbm>>
        %dma_start3A_24 = tpu.memref_squeeze %dma_start3A_23 : memref<1x10000x128xf32, #tpu.memory_space<hbm>> -> memref<10000x128xf32, #tpu.memory_space<hbm>>
        tpu.enqueue_dma source(%arg12 : memref<10000x128xf32, #tpu.memory_space<vmem_shared>>) target(%dma_start3A_24 : memref<10000x128xf32, #tpu.memory_space<hbm>>) target_semaphore(%run_scoped3A : memref<!tpu.dma_semaphore, #tpu.memory_space<semaphore_mem>>)
        %dma_wait3A = arith.constant 0 : i32
        %dma_wait3A_25 = arith.constant 0 : i32
        %dma_wait3A_26 = tpu.memref_slice %arg5[%arg0, %dma_wait3A, %dma_wait3A_25] : memref<2x10000x128xf32, #tpu.memory_space<hbm>> -> memref<1x10000x128xf32, #tpu.memory_space<hbm>>
        %dma_wait3A_27 = tpu.memref_squeeze %dma_wait3A_26 : memref<1x10000x128xf32, #tpu.memory_space<hbm>> -> memref<10000x128xf32, #tpu.memory_space<hbm>>
        tpu.wait_dma2 semaphore(%run_scoped3A : memref<!tpu.dma_semaphore, #tpu.memory_space<semaphore_mem>>) src(%arg12 : memref<10000x128xf32, #tpu.memory_space<vmem_shared>>) dst(%dma_wait3A_27 : memref<10000x128xf32, #tpu.memory_space<hbm>>)
        tpu.yield
      }) : () -> ()
    } else {
    }
    return
  }
}

module attributes {stable_mosaic.version = 14 : i64} {
  func.func @_edge_body(%arg0: i32, %arg1: memref<4000x16xf32, #tpu.memory_space<vmem>>, %arg2: memref<4000x128xf32, #tpu.memory_space<vmem>>, %arg3: memref<4000x256xf32, #tpu.memory_space<vmem>>, %arg4: memref<16x128xf32, #tpu.memory_space<vmem>>, %arg5: memref<1x128xf32, #tpu.memory_space<vmem>>, %arg6: memref<16x128xf32, #tpu.memory_space<vmem>>, %arg7: memref<1x128xf32, #tpu.memory_space<vmem>>, %arg8: memref<16x128xf32, #tpu.memory_space<vmem>>, %arg9: memref<1x128xf32, #tpu.memory_space<vmem>>, %arg10: memref<4000x128xf32, #tpu.memory_space<vmem>>, %arg11: memref<4000x8xf32, #tpu.memory_space<vmem>>) attributes {dimension_semantics = [#tpu.dimension_semantics<arbitrary>], iteration_bounds = array<i64: 80>, scalar_prefetch = 0 : i64, scratch_operands = 0 : i64, tpu.core_type = #tpu.core_type<tc>, window_params = [{transform_indices = @transform_0, window_bounds = array<i64: 4000, 16>}, {transform_indices = @transform_1, window_bounds = array<i64: 4000, 128>}, {transform_indices = @transform_2, window_bounds = array<i64: 4000, 256>}, {pipeline_mode = #tpu.pipeline_mode<synchronous>, transform_indices = @transform_3, window_bounds = array<i64: 16, 128>}, {pipeline_mode = #tpu.pipeline_mode<synchronous>, transform_indices = @transform_4, window_bounds = array<i64: 1, 128>}, {pipeline_mode = #tpu.pipeline_mode<synchronous>, transform_indices = @transform_5, window_bounds = array<i64: 16, 128>}, {pipeline_mode = #tpu.pipeline_mode<synchronous>, transform_indices = @transform_6, window_bounds = array<i64: 1, 128>}, {pipeline_mode = #tpu.pipeline_mode<synchronous>, transform_indices = @transform_7, window_bounds = array<i64: 16, 128>}, {pipeline_mode = #tpu.pipeline_mode<synchronous>, transform_indices = @transform_8, window_bounds = array<i64: 1, 128>}, {transform_indices = @transform_9, window_bounds = array<i64: 4000, 128>}, {transform_indices = @transform_10, window_bounds = array<i64: 4000, 8>}]} {
    %get3A = arith.constant 0 : index
    %get3A_0 = arith.constant 0 : index
    %get3A_1 = vector.load %arg1[%get3A, %get3A_0] : memref<4000x16xf32, #tpu.memory_space<vmem>>, vector<4000x16xf32>
    %get3A_2 = arith.constant 0 : index
    %get3A_3 = arith.constant 0 : index
    %get3A_4 = vector.load %arg4[%get3A_2, %get3A_3] : memref<16x128xf32, #tpu.memory_space<vmem>>, vector<16x128xf32>
    %dot_general3A = arith.constant dense<0.000000e+00> : vector<4000x128xf32>
    %dot_general3A_5 = tpu.matmul %get3A_1, %get3A_4, %dot_general3A {dimension_numbers = #tpu.dot_dimension_numbers<[1], [0], [0], [1], [0, 0, 1, 1], [], []>, transpose_lhs_hint = false} : vector<4000x16xf32>, vector<16x128xf32>, vector<4000x128xf32> -> vector<4000x128xf32>
    %get3A_6 = arith.constant 0 : index
    %get3A_7 = arith.constant 0 : index
    %get3A_8 = vector.load %arg5[%get3A_6, %get3A_7] : memref<1x128xf32, #tpu.memory_space<vmem>>, vector<1x128xf32>
    %add3A = vector.broadcast %get3A_8 : vector<1x128xf32> to vector<4000x128xf32>
    %add3A_9 = arith.addf %dot_general3A_5, %add3A : vector<4000x128xf32>
    %get3A_10 = arith.constant 0 : index
    %get3A_11 = arith.constant 0 : index
    %get3A_12 = vector.load %arg2[%get3A_10, %get3A_11] : memref<4000x128xf32, #tpu.memory_space<vmem>>, vector<4000x128xf32>
    %add3A_13 = arith.addf %add3A_9, %get3A_12 : vector<4000x128xf32>
    %get3A_14 = arith.constant 0 : index
    %get3A_15 = arith.constant 0 : index
    %get3A_16 = vector.load %arg6[%get3A_14, %get3A_15] : memref<16x128xf32, #tpu.memory_space<vmem>>, vector<16x128xf32>
    %dot_general3A_17 = arith.constant dense<0.000000e+00> : vector<4000x128xf32>
    %dot_general3A_18 = tpu.matmul %get3A_1, %get3A_16, %dot_general3A_17 {dimension_numbers = #tpu.dot_dimension_numbers<[1], [0], [0], [1], [0, 0, 1, 1], [], []>, transpose_lhs_hint = false} : vector<4000x16xf32>, vector<16x128xf32>, vector<4000x128xf32> -> vector<4000x128xf32>
    %get3A_19 = arith.constant 0 : index
    %get3A_20 = arith.constant 0 : index
    %get3A_21 = vector.load %arg7[%get3A_19, %get3A_20] : memref<1x128xf32, #tpu.memory_space<vmem>>, vector<1x128xf32>
    %add3A_22 = vector.broadcast %get3A_21 : vector<1x128xf32> to vector<4000x128xf32>
    %add3A_23 = arith.addf %dot_general3A_18, %add3A_22 : vector<4000x128xf32>
    %get3A_24 = arith.constant 0 : index
    %get3A_25 = arith.constant 0 : index
    %get3A_26 = vector.load %arg3[%get3A_24, %get3A_25] : memref<4000x256xf32, #tpu.memory_space<vmem>>, vector<4000x128xf32>
    %add3A_27 = arith.addf %add3A_23, %get3A_26 : vector<4000x128xf32>
    %get3A_28 = arith.constant 0 : index
    %get3A_29 = arith.constant 0 : index
    %get3A_30 = vector.load %arg8[%get3A_28, %get3A_29] : memref<16x128xf32, #tpu.memory_space<vmem>>, vector<16x128xf32>
    %dot_general3A_31 = arith.constant dense<0.000000e+00> : vector<4000x128xf32>
    %dot_general3A_32 = tpu.matmul %get3A_1, %get3A_30, %dot_general3A_31 {dimension_numbers = #tpu.dot_dimension_numbers<[1], [0], [0], [1], [0, 0, 1, 1], [], []>, transpose_lhs_hint = false} : vector<4000x16xf32>, vector<16x128xf32>, vector<4000x128xf32> -> vector<4000x128xf32>
    %get3A_33 = arith.constant 0 : index
    %get3A_34 = arith.constant 0 : index
    %get3A_35 = vector.load %arg9[%get3A_33, %get3A_34] : memref<1x128xf32, #tpu.memory_space<vmem>>, vector<1x128xf32>
    %add3A_36 = vector.broadcast %get3A_35 : vector<1x128xf32> to vector<4000x128xf32>
    %add3A_37 = arith.addf %dot_general3A_32, %add3A_36 : vector<4000x128xf32>
    %get3A_38 = arith.constant 0 : index
    %get3A_39 = arith.constant 128 : index
    %get3A_40 = vector.load %arg3[%get3A_38, %get3A_39] : memref<4000x256xf32, #tpu.memory_space<vmem>>, vector<4000x128xf32>
    %add3A_41 = arith.addf %add3A_37, %get3A_40 : vector<4000x128xf32>
    %mul3A = arith.mulf %add3A_13, %add3A_27 : vector<4000x128xf32>
    %iota3A = tpu.iota {dimensions = array<i32: 0>} : vector<128x8xi32>
    %jit3A = arith.constant 16 : i32
    %div3A = vector.broadcast %jit3A : i32 to vector<128x8xi32>
    %div3A_42 = arith.divsi %iota3A, %div3A : vector<128x8xi32>
    %sign3A = arith.constant 0 : i32
    %sign3A_43 = vector.broadcast %sign3A : i32 to vector<128x8xi32>
    %sign3A_44 = arith.cmpi sgt, %iota3A, %sign3A_43 : vector<128x8xi32>
    %sign3A_45 = arith.extui %sign3A_44 : vector<128x8xi1> to vector<128x8xi32>
    %sign3A_46 = arith.constant 0 : i32
    %sign3A_47 = vector.broadcast %sign3A_46 : i32 to vector<128x8xi32>
    %sign3A_48 = arith.cmpi slt, %iota3A, %sign3A_47 : vector<128x8xi32>
    %sign3A_49 = arith.extui %sign3A_48 : vector<128x8xi1> to vector<128x8xi32>
    %sign3A_50 = arith.subi %sign3A_45, %sign3A_49 : vector<128x8xi32>
    %sign3A_51 = arith.constant 0 : i32
    %sign3A_52 = arith.cmpi sgt, %jit3A, %sign3A_51 : i32
    %sign3A_53 = arith.extui %sign3A_52 : i1 to i32
    %sign3A_54 = arith.constant 0 : i32
    %sign3A_55 = arith.cmpi slt, %jit3A, %sign3A_54 : i32
    %sign3A_56 = arith.extui %sign3A_55 : i1 to i32
    %sign3A_57 = arith.subi %sign3A_53, %sign3A_56 : i32
    %ne3A = vector.broadcast %sign3A_57 : i32 to vector<128x8xi32>
    %ne3A_58 = arith.cmpi ne, %sign3A_50, %ne3A : vector<128x8xi32>
    %rem3A = vector.broadcast %jit3A : i32 to vector<128x8xi32>
    %rem3A_59 = arith.remsi %iota3A, %rem3A : vector<128x8xi32>
    %ne3A_60 = arith.constant 0 : i32
    %ne3A_61 = vector.broadcast %ne3A_60 : i32 to vector<128x8xi32>
    %ne3A_62 = arith.cmpi ne, %rem3A_59, %ne3A_61 : vector<128x8xi32>
    %and3A = arith.andi %ne3A_58, %ne3A_62 : vector<128x8xi1>
    %sub3A = arith.constant 1 : i32
    %sub3A_63 = vector.broadcast %sub3A : i32 to vector<128x8xi32>
    %sub3A_64 = arith.subi %div3A_42, %sub3A_63 : vector<128x8xi32>
    %select_n3A = arith.select %and3A, %sub3A_64, %div3A_42 : vector<128x8xi1>, vector<128x8xi32>
    %iota3A_65 = tpu.iota {dimensions = array<i32: 1>} : vector<128x8xi32>
    %eq3A = arith.cmpi eq, %select_n3A, %iota3A_65 : vector<128x8xi32>
    %jit3A_66 = arith.constant 2.500000e-01 : f32
    %jit3A_67 = arith.constant 0.000000e+00 : f32
    %broadcast_in_dim3A = vector.broadcast %jit3A_66 : f32 to vector<128x8xf32>
    %broadcast_in_dim3A_68 = vector.broadcast %jit3A_67 : f32 to vector<128x8xf32>
    %select_n3A_69 = arith.select %eq3A, %broadcast_in_dim3A, %broadcast_in_dim3A_68 : vector<128x8xi1>, vector<128x8xf32>
    %dot_general3A_70 = arith.constant dense<0.000000e+00> : vector<4000x8xf32>
    %dot_general3A_71 = tpu.matmul %mul3A, %select_n3A_69, %dot_general3A_70 {dimension_numbers = #tpu.dot_dimension_numbers<[1], [0], [0], [1], [0, 0, 1, 1], [], []>, transpose_lhs_hint = false} : vector<4000x128xf32>, vector<128x8xf32>, vector<4000x8xf32> -> vector<4000x8xf32>
    %exp3A = math.exp %dot_general3A_71 : vector<4000x8xf32>
    %swap3A = arith.constant 0 : index
    %swap3A_72 = arith.constant 0 : index
    %swap3A_73 = vector.load %arg11[%swap3A, %swap3A_72] : memref<4000x8xf32, #tpu.memory_space<vmem>>, vector<4000x8xf32>
    tpu.vector_store %arg11[%swap3A, %swap3A_72], %exp3A {strides = array<i32>} : memref<4000x8xf32, #tpu.memory_space<vmem>>, vector<4000x8xf32>,
    %iota3A_74 = tpu.iota {dimensions = array<i32: 0>} : vector<8x128xi32>
    %iota3A_75 = tpu.iota {dimensions = array<i32: 1>} : vector<8x128xi32>
    %jit3A_76 = arith.constant 16 : i32
    %div3A_77 = vector.broadcast %jit3A_76 : i32 to vector<8x128xi32>
    %div3A_78 = arith.divsi %iota3A_75, %div3A_77 : vector<8x128xi32>
    %sign3A_79 = arith.constant 0 : i32
    %sign3A_80 = vector.broadcast %sign3A_79 : i32 to vector<8x128xi32>
    %sign3A_81 = arith.cmpi sgt, %iota3A_75, %sign3A_80 : vector<8x128xi32>
    %sign3A_82 = arith.extui %sign3A_81 : vector<8x128xi1> to vector<8x128xi32>
    %sign3A_83 = arith.constant 0 : i32
    %sign3A_84 = vector.broadcast %sign3A_83 : i32 to vector<8x128xi32>
    %sign3A_85 = arith.cmpi slt, %iota3A_75, %sign3A_84 : vector<8x128xi32>
    %sign3A_86 = arith.extui %sign3A_85 : vector<8x128xi1> to vector<8x128xi32>
    %sign3A_87 = arith.subi %sign3A_82, %sign3A_86 : vector<8x128xi32>
    %sign3A_88 = arith.constant 0 : i32
    %sign3A_89 = arith.cmpi sgt, %jit3A_76, %sign3A_88 : i32
    %sign3A_90 = arith.extui %sign3A_89 : i1 to i32
    %sign3A_91 = arith.constant 0 : i32
    %sign3A_92 = arith.cmpi slt, %jit3A_76, %sign3A_91 : i32
    %sign3A_93 = arith.extui %sign3A_92 : i1 to i32
    %sign3A_94 = arith.subi %sign3A_90, %sign3A_93 : i32
    %ne3A_95 = vector.broadcast %sign3A_94 : i32 to vector<8x128xi32>
    %ne3A_96 = arith.cmpi ne, %sign3A_87, %ne3A_95 : vector<8x128xi32>
    %rem3A_97 = vector.broadcast %jit3A_76 : i32 to vector<8x128xi32>
    %rem3A_98 = arith.remsi %iota3A_75, %rem3A_97 : vector<8x128xi32>
    %ne3A_99 = arith.constant 0 : i32
    %ne3A_100 = vector.broadcast %ne3A_99 : i32 to vector<8x128xi32>
    %ne3A_101 = arith.cmpi ne, %rem3A_98, %ne3A_100 : vector<8x128xi32>
    %and3A_102 = arith.andi %ne3A_96, %ne3A_101 : vector<8x128xi1>
    %sub3A_103 = arith.constant 1 : i32
    %sub3A_104 = vector.broadcast %sub3A_103 : i32 to vector<8x128xi32>
    %sub3A_105 = arith.subi %div3A_78, %sub3A_104 : vector<8x128xi32>
    %select_n3A_106 = arith.select %and3A_102, %sub3A_105, %div3A_78 : vector<8x128xi1>, vector<8x128xi32>
    %eq3A_107 = arith.cmpi eq, %iota3A_74, %select_n3A_106 : vector<8x128xi32>
    %jit3A_108 = arith.constant 1.000000e+00 : f32
    %jit3A_109 = arith.constant 0.000000e+00 : f32
    %broadcast_in_dim3A_110 = vector.broadcast %jit3A_108 : f32 to vector<8x128xf32>
    %broadcast_in_dim3A_111 = vector.broadcast %jit3A_109 : f32 to vector<8x128xf32>
    %select_n3A_112 = arith.select %eq3A_107, %broadcast_in_dim3A_110, %broadcast_in_dim3A_111 : vector<8x128xi1>, vector<8x128xf32>
    %dot_general3A_113 = arith.constant dense<0.000000e+00> : vector<4000x128xf32>
    %dot_general3A_114 = tpu.matmul %exp3A, %select_n3A_112, %dot_general3A_113 {dimension_numbers = #tpu.dot_dimension_numbers<[1], [0], [0], [1], [0, 0, 1, 1], [], []>, transpose_lhs_hint = false} : vector<4000x8xf32>, vector<8x128xf32>, vector<4000x128xf32> -> vector<4000x128xf32>
    %mul3A_115 = arith.mulf %dot_general3A_114, %add3A_41 : vector<4000x128xf32>
    %swap3A_116 = arith.constant 0 : index
    %swap3A_117 = arith.constant 0 : index
    %swap3A_118 = vector.load %arg10[%swap3A_116, %swap3A_117] : memref<4000x128xf32, #tpu.memory_space<vmem>>, vector<4000x128xf32>
    tpu.vector_store %arg10[%swap3A_116, %swap3A_117], %mul3A_115 {strides = array<i32>} : memref<4000x128xf32, #tpu.memory_space<vmem>>, vector<4000x128xf32>,
    return
  }
  func.func @transform_0(%arg0: i32) -> (i32, i32) {
    %c0_i32 = arith.constant 0 : i32
    %c0_i32_0 = arith.constant 0 : i32
    return %arg0, %c0_i32 : i32, i32
  }
  func.func @transform_1(%arg0: i32) -> (i32, i32) {
    %c0_i32 = arith.constant 0 : i32
    %c0_i32_0 = arith.constant 0 : i32
    return %arg0, %c0_i32 : i32, i32
  }
  func.func @transform_2(%arg0: i32) -> (i32, i32) {
    %c0_i32 = arith.constant 0 : i32
    %c0_i32_0 = arith.constant 0 : i32
    return %arg0, %c0_i32 : i32, i32
  }
  func.func @transform_3(%arg0: i32) -> (i32, i32) {
    %c0_i32 = arith.constant 0 : i32
    %c0_i32_0 = arith.constant 0 : i32
    %c0_i32_1 = arith.constant 0 : i32
    return %c0_i32, %c0_i32_0 : i32, i32
  }
  func.func @transform_4(%arg0: i32) -> (i32, i32) {
    %c0_i32 = arith.constant 0 : i32
    %c0_i32_0 = arith.constant 0 : i32
    %c0_i32_1 = arith.constant 0 : i32
    return %c0_i32, %c0_i32_0 : i32, i32
  }
  func.func @transform_5(%arg0: i32) -> (i32, i32) {
    %c0_i32 = arith.constant 0 : i32
    %c0_i32_0 = arith.constant 0 : i32
    %c0_i32_1 = arith.constant 0 : i32
    return %c0_i32, %c0_i32_0 : i32, i32
  }
  func.func @transform_6(%arg0: i32) -> (i32, i32) {
    %c0_i32 = arith.constant 0 : i32
    %c0_i32_0 = arith.constant 0 : i32
    %c0_i32_1 = arith.constant 0 : i32
    return %c0_i32, %c0_i32_0 : i32, i32
  }
  func.func @transform_7(%arg0: i32) -> (i32, i32) {
    %c0_i32 = arith.constant 0 : i32
    %c0_i32_0 = arith.constant 0 : i32
    %c0_i32_1 = arith.constant 0 : i32
    return %c0_i32, %c0_i32_0 : i32, i32
  }
  func.func @transform_8(%arg0: i32) -> (i32, i32) {
    %c0_i32 = arith.constant 0 : i32
    %c0_i32_0 = arith.constant 0 : i32
    %c0_i32_1 = arith.constant 0 : i32
    return %c0_i32, %c0_i32_0 : i32, i32
  }
  func.func @transform_9(%arg0: i32) -> (i32, i32) {
    %c0_i32 = arith.constant 0 : i32
    %c0_i32_0 = arith.constant 0 : i32
    return %arg0, %c0_i32 : i32, i32
  }
  func.func @transform_10(%arg0: i32) -> (i32, i32) {
    %c0_i32 = arith.constant 0 : i32
    %c0_i32_0 = arith.constant 0 : i32
    return %arg0, %c0_i32 : i32, i32
  }
}

module attributes {stable_mosaic.version = 14 : i64} {
  func.func @_nodeproj_body(%arg0: i32, %arg1: memref<2000x128xf32, #tpu.memory_space<vmem>>, %arg2: memref<128x128xf32, #tpu.memory_space<vmem>>, %arg3: memref<1x128xf32, #tpu.memory_space<vmem>>, %arg4: memref<128x128xf32, #tpu.memory_space<vmem>>, %arg5: memref<1x128xf32, #tpu.memory_space<vmem>>, %arg6: memref<128x128xf32, #tpu.memory_space<vmem>>, %arg7: memref<1x128xf32, #tpu.memory_space<vmem>>, %arg8: memref<2000x128xf32, #tpu.memory_space<vmem>>, %arg9: memref<2000x256xf32, #tpu.memory_space<vmem>>) attributes {dimension_semantics = [#tpu.dimension_semantics<arbitrary>], iteration_bounds = array<i64: 5>, scalar_prefetch = 0 : i64, scratch_operands = 0 : i64, tpu.core_type = #tpu.core_type<tc>, window_params = [{transform_indices = @transform_0, window_bounds = array<i64: 2000, 128>}, {pipeline_mode = #tpu.pipeline_mode<synchronous>, transform_indices = @transform_1, window_bounds = array<i64: 128, 128>}, {pipeline_mode = #tpu.pipeline_mode<synchronous>, transform_indices = @transform_2, window_bounds = array<i64: 1, 128>}, {pipeline_mode = #tpu.pipeline_mode<synchronous>, transform_indices = @transform_3, window_bounds = array<i64: 128, 128>}, {pipeline_mode = #tpu.pipeline_mode<synchronous>, transform_indices = @transform_4, window_bounds = array<i64: 1, 128>}, {pipeline_mode = #tpu.pipeline_mode<synchronous>, transform_indices = @transform_5, window_bounds = array<i64: 128, 128>}, {pipeline_mode = #tpu.pipeline_mode<synchronous>, transform_indices = @transform_6, window_bounds = array<i64: 1, 128>}, {transform_indices = @transform_7, window_bounds = array<i64: 2000, 128>}, {transform_indices = @transform_8, window_bounds = array<i64: 2000, 256>}]} {
    %get3A = arith.constant 0 : index
    %get3A_0 = arith.constant 0 : index
    %get3A_1 = vector.load %arg1[%get3A, %get3A_0] : memref<2000x128xf32, #tpu.memory_space<vmem>>, vector<2000x128xf32>
    %get3A_2 = arith.constant 0 : index
    %get3A_3 = arith.constant 0 : index
    %get3A_4 = vector.load %arg2[%get3A_2, %get3A_3] : memref<128x128xf32, #tpu.memory_space<vmem>>, vector<128x128xf32>
    %dot_general3A = arith.constant dense<0.000000e+00> : vector<2000x128xf32>
    %dot_general3A_5 = tpu.matmul %get3A_1, %get3A_4, %dot_general3A {dimension_numbers = #tpu.dot_dimension_numbers<[1], [0], [0], [1], [0, 0, 1, 1], [], []>, transpose_lhs_hint = false} : vector<2000x128xf32>, vector<128x128xf32>, vector<2000x128xf32> -> vector<2000x128xf32>
    %get3A_6 = arith.constant 0 : index
    %get3A_7 = arith.constant 0 : index
    %get3A_8 = vector.load %arg3[%get3A_6, %get3A_7] : memref<1x128xf32, #tpu.memory_space<vmem>>, vector<1x128xf32>
    %add3A = vector.broadcast %get3A_8 : vector<1x128xf32> to vector<2000x128xf32>
    %add3A_9 = arith.addf %dot_general3A_5, %add3A : vector<2000x128xf32>
    %swap3A = arith.constant 0 : index
    %swap3A_10 = arith.constant 0 : index
    %swap3A_11 = vector.load %arg8[%swap3A, %swap3A_10] : memref<2000x128xf32, #tpu.memory_space<vmem>>, vector<2000x128xf32>
    tpu.vector_store %arg8[%swap3A, %swap3A_10], %add3A_9 {strides = array<i32>} : memref<2000x128xf32, #tpu.memory_space<vmem>>, vector<2000x128xf32>,
    %get3A_12 = arith.constant 0 : index
    %get3A_13 = arith.constant 0 : index
    %get3A_14 = vector.load %arg4[%get3A_12, %get3A_13] : memref<128x128xf32, #tpu.memory_space<vmem>>, vector<128x128xf32>
    %dot_general3A_15 = arith.constant dense<0.000000e+00> : vector<2000x128xf32>
    %dot_general3A_16 = tpu.matmul %get3A_1, %get3A_14, %dot_general3A_15 {dimension_numbers = #tpu.dot_dimension_numbers<[1], [0], [0], [1], [0, 0, 1, 1], [], []>, transpose_lhs_hint = false} : vector<2000x128xf32>, vector<128x128xf32>, vector<2000x128xf32> -> vector<2000x128xf32>
    %get3A_17 = arith.constant 0 : index
    %get3A_18 = arith.constant 0 : index
    %get3A_19 = vector.load %arg5[%get3A_17, %get3A_18] : memref<1x128xf32, #tpu.memory_space<vmem>>, vector<1x128xf32>
    %add3A_20 = vector.broadcast %get3A_19 : vector<1x128xf32> to vector<2000x128xf32>
    %add3A_21 = arith.addf %dot_general3A_16, %add3A_20 : vector<2000x128xf32>
    %get3A_22 = arith.constant 0 : index
    %get3A_23 = arith.constant 0 : index
    %get3A_24 = vector.load %arg6[%get3A_22, %get3A_23] : memref<128x128xf32, #tpu.memory_space<vmem>>, vector<128x128xf32>
    %dot_general3A_25 = arith.constant dense<0.000000e+00> : vector<2000x128xf32>
    %dot_general3A_26 = tpu.matmul %get3A_1, %get3A_24, %dot_general3A_25 {dimension_numbers = #tpu.dot_dimension_numbers<[1], [0], [0], [1], [0, 0, 1, 1], [], []>, transpose_lhs_hint = false} : vector<2000x128xf32>, vector<128x128xf32>, vector<2000x128xf32> -> vector<2000x128xf32>
    %get3A_27 = arith.constant 0 : index
    %get3A_28 = arith.constant 0 : index
    %get3A_29 = vector.load %arg7[%get3A_27, %get3A_28] : memref<1x128xf32, #tpu.memory_space<vmem>>, vector<1x128xf32>
    %add3A_30 = vector.broadcast %get3A_29 : vector<1x128xf32> to vector<2000x128xf32>
    %add3A_31 = arith.addf %dot_general3A_26, %add3A_30 : vector<2000x128xf32>
    %concatenate3A = tpu.concatenate %add3A_21, %add3A_31 in 1 : vector<2000x128xf32>, vector<2000x128xf32> -> vector<2000x256xf32>
    %swap3A_32 = arith.constant 0 : index
    %swap3A_33 = arith.constant 0 : index
    %swap3A_34 = vector.load %arg9[%swap3A_32, %swap3A_33] : memref<2000x256xf32, #tpu.memory_space<vmem>>, vector<2000x256xf32>
    tpu.vector_store %arg9[%swap3A_32, %swap3A_33], %concatenate3A {strides = array<i32>} : memref<2000x256xf32, #tpu.memory_space<vmem>>, vector<2000x256xf32>,
    return
  }
  func.func @transform_0(%arg0: i32) -> (i32, i32) {
    %c0_i32 = arith.constant 0 : i32
    %c0_i32_0 = arith.constant 0 : i32
    return %arg0, %c0_i32 : i32, i32
  }
  func.func @transform_1(%arg0: i32) -> (i32, i32) {
    %c0_i32 = arith.constant 0 : i32
    %c0_i32_0 = arith.constant 0 : i32
    %c0_i32_1 = arith.constant 0 : i32
    return %c0_i32, %c0_i32_0 : i32, i32
  }
  func.func @transform_2(%arg0: i32) -> (i32, i32) {
    %c0_i32 = arith.constant 0 : i32
    %c0_i32_0 = arith.constant 0 : i32
    %c0_i32_1 = arith.constant 0 : i32
    return %c0_i32, %c0_i32_0 : i32, i32
  }
  func.func @transform_3(%arg0: i32) -> (i32, i32) {
    %c0_i32 = arith.constant 0 : i32
    %c0_i32_0 = arith.constant 0 : i32
    %c0_i32_1 = arith.constant 0 : i32
    return %c0_i32, %c0_i32_0 : i32, i32
  }
  func.func @transform_4(%arg0: i32) -> (i32, i32) {
    %c0_i32 = arith.constant 0 : i32
    %c0_i32_0 = arith.constant 0 : i32
    %c0_i32_1 = arith.constant 0 : i32
    return %c0_i32, %c0_i32_0 : i32, i32
  }
  func.func @transform_5(%arg0: i32) -> (i32, i32) {
    %c0_i32 = arith.constant 0 : i32
    %c0_i32_0 = arith.constant 0 : i32
    %c0_i32_1 = arith.constant 0 : i32
    return %c0_i32, %c0_i32_0 : i32, i32
  }
  func.func @transform_6(%arg0: i32) -> (i32, i32) {
    %c0_i32 = arith.constant 0 : i32
    %c0_i32_0 = arith.constant 0 : i32
    %c0_i32_1 = arith.constant 0 : i32
    return %c0_i32, %c0_i32_0 : i32, i32
  }
  func.func @transform_7(%arg0: i32) -> (i32, i32) {
    %c0_i32 = arith.constant 0 : i32
    %c0_i32_0 = arith.constant 0 : i32
    return %arg0, %c0_i32 : i32, i32
  }
  func.func @transform_8(%arg0: i32) -> (i32, i32) {
    %c0_i32 = arith.constant 0 : i32
    %c0_i32_0 = arith.constant 0 : i32
    return %arg0, %c0_i32 : i32, i32
  }
}

module attributes {stable_mosaic.version = 14 : i64} {
  func.func @_outproj_body(%arg0: i32, %arg1: memref<2000x128xf32, #tpu.memory_space<vmem>>, %arg2: memref<2000x128xf32, #tpu.memory_space<vmem>>, %arg3: memref<2000x256xf32, #tpu.memory_space<vmem>>, %arg4: memref<128x128xf32, #tpu.memory_space<vmem>>, %arg5: memref<1x128xf32, #tpu.memory_space<vmem>>, %arg6: memref<2000x128xf32, #tpu.memory_space<vmem>>) attributes {dimension_semantics = [#tpu.dimension_semantics<arbitrary>], iteration_bounds = array<i64: 5>, scalar_prefetch = 0 : i64, scratch_operands = 0 : i64, tpu.core_type = #tpu.core_type<tc>, window_params = [{transform_indices = @transform_0, window_bounds = array<i64: 2000, 128>}, {transform_indices = @transform_1, window_bounds = array<i64: 2000, 128>}, {transform_indices = @transform_2, window_bounds = array<i64: 2000, 256>}, {pipeline_mode = #tpu.pipeline_mode<synchronous>, transform_indices = @transform_3, window_bounds = array<i64: 128, 128>}, {pipeline_mode = #tpu.pipeline_mode<synchronous>, transform_indices = @transform_4, window_bounds = array<i64: 1, 128>}, {transform_indices = @transform_5, window_bounds = array<i64: 2000, 128>}]} {
    %get3A = arith.constant 0 : index
    %get3A_0 = arith.constant 0 : index
    %get3A_1 = vector.load %arg1[%get3A, %get3A_0] : memref<2000x128xf32, #tpu.memory_space<vmem>>, vector<2000x128xf32>
    %get3A_2 = arith.constant 0 : index
    %get3A_3 = arith.constant 0 : index
    %get3A_4 = vector.load %arg2[%get3A_2, %get3A_3] : memref<2000x128xf32, #tpu.memory_space<vmem>>, vector<2000x128xf32>
    %add3A = arith.addf %get3A_1, %get3A_4 : vector<2000x128xf32>
    %get3A_5 = arith.constant 0 : index
    %get3A_6 = arith.constant 0 : index
    %get3A_7 = vector.load %arg3[%get3A_5, %get3A_6] : memref<2000x256xf32, #tpu.memory_space<vmem>>, vector<2000x256xf32>
    %iota3A = tpu.iota {dimensions = array<i32: 0>} : vector<256x128xi32>
    %iota3A_8 = tpu.iota {dimensions = array<i32: 1>} : vector<256x128xi32>
    %jit3A = arith.constant 16 : i32
    %div3A = vector.broadcast %jit3A : i32 to vector<256x128xi32>
    %div3A_9 = arith.divsi %iota3A_8, %div3A : vector<256x128xi32>
    %sign3A = arith.constant 0 : i32
    %sign3A_10 = vector.broadcast %sign3A : i32 to vector<256x128xi32>
    %sign3A_11 = arith.cmpi sgt, %iota3A_8, %sign3A_10 : vector<256x128xi32>
    %sign3A_12 = arith.extui %sign3A_11 : vector<256x128xi1> to vector<256x128xi32>
    %sign3A_13 = arith.constant 0 : i32
    %sign3A_14 = vector.broadcast %sign3A_13 : i32 to vector<256x128xi32>
    %sign3A_15 = arith.cmpi slt, %iota3A_8, %sign3A_14 : vector<256x128xi32>
    %sign3A_16 = arith.extui %sign3A_15 : vector<256x128xi1> to vector<256x128xi32>
    %sign3A_17 = arith.subi %sign3A_12, %sign3A_16 : vector<256x128xi32>
    %sign3A_18 = arith.constant 0 : i32
    %sign3A_19 = arith.cmpi sgt, %jit3A, %sign3A_18 : i32
    %sign3A_20 = arith.extui %sign3A_19 : i1 to i32
    %sign3A_21 = arith.constant 0 : i32
    %sign3A_22 = arith.cmpi slt, %jit3A, %sign3A_21 : i32
    %sign3A_23 = arith.extui %sign3A_22 : i1 to i32
    %sign3A_24 = arith.subi %sign3A_20, %sign3A_23 : i32
    %ne3A = vector.broadcast %sign3A_24 : i32 to vector<256x128xi32>
    %ne3A_25 = arith.cmpi ne, %sign3A_17, %ne3A : vector<256x128xi32>
    %rem3A = vector.broadcast %jit3A : i32 to vector<256x128xi32>
    %rem3A_26 = arith.remsi %iota3A_8, %rem3A : vector<256x128xi32>
    %ne3A_27 = arith.constant 0 : i32
    %ne3A_28 = vector.broadcast %ne3A_27 : i32 to vector<256x128xi32>
    %ne3A_29 = arith.cmpi ne, %rem3A_26, %ne3A_28 : vector<256x128xi32>
    %and3A = arith.andi %ne3A_25, %ne3A_29 : vector<256x128xi1>
    %sub3A = arith.constant 1 : i32
    %sub3A_30 = vector.broadcast %sub3A : i32 to vector<256x128xi32>
    %sub3A_31 = arith.subi %div3A_9, %sub3A_30 : vector<256x128xi32>
    %select_n3A = arith.select %and3A, %sub3A_31, %div3A_9 : vector<256x128xi1>, vector<256x128xi32>
    %rem3A_32 = arith.constant 8 : i32
    %rem3A_33 = vector.broadcast %rem3A_32 : i32 to vector<256x128xi32>
    %rem3A_34 = arith.remsi %iota3A, %rem3A_33 : vector<256x128xi32>
    %eq3A = arith.cmpi eq, %rem3A_34, %select_n3A : vector<256x128xi32>
    %jit3A_35 = arith.constant 1.000000e+00 : f32
    %jit3A_36 = arith.constant 0.000000e+00 : f32
    %broadcast_in_dim3A = vector.broadcast %jit3A_35 : f32 to vector<256x128xf32>
    %broadcast_in_dim3A_37 = vector.broadcast %jit3A_36 : f32 to vector<256x128xf32>
    %select_n3A_38 = arith.select %eq3A, %broadcast_in_dim3A, %broadcast_in_dim3A_37 : vector<256x128xi1>, vector<256x128xf32>
    %dot_general3A = arith.constant dense<0.000000e+00> : vector<2000x128xf32>
    %dot_general3A_39 = tpu.matmul %get3A_7, %select_n3A_38, %dot_general3A {dimension_numbers = #tpu.dot_dimension_numbers<[1], [0], [0], [1], [0, 0, 1, 1], [], []>, transpose_lhs_hint = false} : vector<2000x256xf32>, vector<256x128xf32>, vector<2000x128xf32> -> vector<2000x128xf32>
    %add3A_40 = arith.constant 1.000000e-16 : f32
    %add3A_41 = vector.broadcast %add3A_40 : f32 to vector<2000x128xf32>
    %add3A_42 = arith.addf %dot_general3A_39, %add3A_41 : vector<2000x128xf32>
    %div3A_43 = arith.divf %add3A, %add3A_42 : vector<2000x128xf32>
    %get3A_44 = arith.constant 0 : index
    %get3A_45 = arith.constant 0 : index
    %get3A_46 = vector.load %arg4[%get3A_44, %get3A_45] : memref<128x128xf32, #tpu.memory_space<vmem>>, vector<128x128xf32>
    %dot_general3A_47 = arith.constant dense<0.000000e+00> : vector<2000x128xf32>
    %dot_general3A_48 = tpu.matmul %div3A_43, %get3A_46, %dot_general3A_47 {dimension_numbers = #tpu.dot_dimension_numbers<[1], [0], [0], [1], [0, 0, 1, 1], [], []>, transpose_lhs_hint = false} : vector<2000x128xf32>, vector<128x128xf32>, vector<2000x128xf32> -> vector<2000x128xf32>
    %get3A_49 = arith.constant 0 : index
    %get3A_50 = arith.constant 0 : index
    %get3A_51 = vector.load %arg5[%get3A_49, %get3A_50] : memref<1x128xf32, #tpu.memory_space<vmem>>, vector<1x128xf32>
    %add3A_52 = vector.broadcast %get3A_51 : vector<1x128xf32> to vector<2000x128xf32>
    %add3A_53 = arith.addf %dot_general3A_48, %add3A_52 : vector<2000x128xf32>
    %swap3A = arith.constant 0 : index
    %swap3A_54 = arith.constant 0 : index
    %swap3A_55 = vector.load %arg6[%swap3A, %swap3A_54] : memref<2000x128xf32, #tpu.memory_space<vmem>>, vector<2000x128xf32>
    tpu.vector_store %arg6[%swap3A, %swap3A_54], %add3A_53 {strides = array<i32>} : memref<2000x128xf32, #tpu.memory_space<vmem>>, vector<2000x128xf32>,
    return
  }
  func.func @transform_0(%arg0: i32) -> (i32, i32) {
    %c0_i32 = arith.constant 0 : i32
    %c0_i32_0 = arith.constant 0 : i32
    return %arg0, %c0_i32 : i32, i32
  }
  func.func @transform_1(%arg0: i32) -> (i32, i32) {
    %c0_i32 = arith.constant 0 : i32
    %c0_i32_0 = arith.constant 0 : i32
    return %arg0, %c0_i32 : i32, i32
  }
  func.func @transform_2(%arg0: i32) -> (i32, i32) {
    %c0_i32 = arith.constant 0 : i32
    %c0_i32_0 = arith.constant 0 : i32
    return %arg0, %c0_i32 : i32, i32
  }
  func.func @transform_3(%arg0: i32) -> (i32, i32) {
    %c0_i32 = arith.constant 0 : i32
    %c0_i32_0 = arith.constant 0 : i32
    %c0_i32_1 = arith.constant 0 : i32
    return %c0_i32, %c0_i32_0 : i32, i32
  }
  func.func @transform_4(%arg0: i32) -> (i32, i32) {
    %c0_i32 = arith.constant 0 : i32
    %c0_i32_0 = arith.constant 0 : i32
    %c0_i32_1 = arith.constant 0 : i32
    return %c0_i32, %c0_i32_0 : i32, i32
  }
  func.func @transform_5(%arg0: i32) -> (i32, i32) {
    %c0_i32 = arith.constant 0 : i32
    %c0_i32_0 = arith.constant 0 : i32
    return %arg0, %c0_i32 : i32, i32
  }
}

</mosaic_0001>

<sc_bundles>
// kernel: kernel.11.cloned.1.call-start
scs
__scs_entry_jumppad:
0x0: {  	(pc) =	sbr.rel $0x88, $3  }
0x1: {  	(tag) =	ssettag $0x0;
	lr =	simm.s32 $0x1  }
0x2: {  	[smem:$0x3F90] =	sst lr;
	_ =	strace $0xD0000000  }
0x3: {  	_ = 	snop  }
0x4: {  	_ = 	snop  }
0x5: {  	_ = 	snop  }
0x6: {  	_ = 	snop  }
0x7: {  	_ = 	snop  }
__scs_overlays_trampoline_lowered:
0x8: {  	[smem:$0x3F9F] =	sst s0  }
0x9: {  	[smem:$0x3FA0] =	sst s1  }
0xa: {  	[smem:$0x3FA1] =	sst s2  }
0xb: {  	[smem:$0x3FA2] =	sst s3  }
0xc: {  	[smem:$0x3FA3] =	sst s4  }
0xd: {  	[smem:$0x3FA4] =	sst s5  }
0xe: {  	[smem:$0x3FA5] =	sst s6  }
0xf: {  	[smem:$0x3FA6] =	sst s7  }
0x10: {  	[smem:$0x3FA7] =	sst s8  }
0x11: {  	[smem:$0x3FA8] =	sst s9;
	s0 =	simm.s32 @!p0 $0x0  }
0x12: {  	s1 =	sld [smem:$0x3F8E];
	s0 =	simm.s32 @p0 $0x1  }
0x13: {  	[smem:$0x3FA9] =	sst s0;
	s0 =	simm.s32 @!p1 $0x0  }
0x14: {  	s2 =	sld [smem:$0x3F8D];
	s0 =	simm.s32 @p1 $0x1  }
0x15: {  	[smem:$0x3FAA] =	sst s0;
	s0 =	simm.s32 @!p2 $0x0  }
0x16: {  	s3 =	sld [smem:$0x3FDB];
	s0 =	simm.s32 @p2 $0x1  }
0x17: {  	s4 =	simm.s32 $0x1BF5;
	[smem:$0x3FAC] =	sst s0  }
0x18: {  	s0 =	sld [smem:$0x3F8F];
	_ =	swait.ge [sflag:s4], $0x0  }
0x19: {  	s7 =	sld [smem:$0x3F90]  }
0x1a: {  	s8 =	sadd.s32 $0xFFFFE003, lr  }
0x1b: {  	s9 =	sadd.s32 $0xFFFFFEF7, lr;
	s5 =	simm.s32 $0xFFFFFFFF;
	p2 =	slt.u32 s8, $0xFFFFF086  }
0x1c: {  	p1 =	slt.u32 s9, $0xF7A;
	s5 =	simm.s32 @!p2 $0x0  }
0x1d: {  	s5 =	simm.s32 @p1 $0x1;
	p0 =	seq.s32 s7, s2  }
0x1e: {  	s7 =	smul.u32 @!p0 $0xF7A, s2;
	p2 =	seq.s32 @!p0 s5, $0x0  }
0x1f: {  	s9 =	smul.u32 $0xF7A, s1;
	s8 =	simm.s32 @!p0 $0x1BF5;
	p2 =	por !p2, p0  }
0x20: {  	[sflag:s8] =	ssyncset.s32 @!p0 $0xFFFFF086;
	s6 =	sadd.s32 @!p0 s3, s7;
	s7 =	simm.s32 @!p0 $0x108  }
0x21: {  	s3 =	sadd.s32 s3, s9;
	s6 =	sadd.s32 @!p0 $0x88, s6;
	s7 =	simm.s32 @p2 $0x1082  }
0x22: {  	[simem:s7], [sflag:s8] =	dma.local @!p0 [hbm:s6], $0xF7A  }
0x23: {  	s9 =	sor.u32 $0xD0000000, s2;
	s6 =	simm.s32 $0x108;
	_ =	swait.ge @!p0 [sflag:s8], $0x0  }
0x24: {  	s3 =	sadd.s32 $0x88, s3;
	s6 =	simm.s32 @!p1 $0x1082;
	[sflag:s4] =	ssyncset.s32 $0xFFFFF086  }
0x25: {  	[simem:s6], [sflag:s4] =	dma.local [hbm:s3], $0xF7A  }
0x26: {  	[smem:$0x3F90] =	sst s1;
	(tag) =	ssettag s2;
	_ =	strace s9  }
0x27: {  	s1 =	sld [smem:$0x3FA0]  }
0x28: {  	s2 =	sld [smem:$0x3FA1]  }
0x29: {  	s4 =	sld [smem:$0x3FA3]  }
0x2a: {  	p0 =	seq.s32 s5, $0x0;
	s5 =	sld [smem:$0x3FA4]  }
0x2b: {  	s6 =	sld [smem:$0x3FA5]  }
0x2c: {  	s7 =	sld [smem:$0x3FA6]  }
0x2d: {  	s3 =	simm.s32 $0x108;
	s8 =	sld [smem:$0x3FA7]  }
0x2e: {  	s3 =	simm.s32 @!p0 $0x1082;
	s9 =	sld [smem:$0x3FA8]  }
0x2f: {  	lr =	sadd.s32 s0, s3;
	s0 =	sld [smem:$0x3F9F]  }
0x30: {  	s3 =	sld [smem:$0x3FA2]  }
0x31: {  	[smem:$0x3FAB] =	sst s10  }
0x32: {  	s10 =	sld [smem:$0x3FA9];
	_ =	sdelay $0x3  }
0x33: {  	p0 =	seq.s32 s10, $0x1;
	s10 =	sld [smem:$0x3FAB];
	_ =	sdelay $0x3  }
0x34: {  	[smem:$0x3FAB] =	sst s10  }
0x35: {  	s10 =	sld [smem:$0x3FAA];
	_ =	sdelay $0x3  }
0x36: {  	p1 =	seq.s32 s10, $0x1;
	s10 =	sld [smem:$0x3FAB];
	_ =	sdelay $0x3  }
0x37: {  	[smem:$0x3FAB] =	sst s10  }
0x38: {  	s10 =	sld [smem:$0x3FAC]  }
0x39: {  	_ = 	snop;
	(pc) =	sbr.ind lr, $3  }
0x3a: {  	_ = 	snop  }
0x3b: {  	_ = 	snop  }
0x3c: {  	p2 =	seq.s32 s10, $0x1;
	s10 =	sld [smem:$0x3FAB]  }
0x3d: {  	_ =	shalt  }
0x3e: {  	_ =	shalt  }
0x3f: {  	_ =	shalt  }
0x40: {  	_ =	shalt  }
0x41: {  	_ =	shalt  }
0x42: {  	_ =	shalt  }
0x43: {  	_ =	shalt  }
0x44: {  	_ =	shalt  }
0x45: {  	_ =	shalt  }
0x46: {  	_ =	shalt  }
0x47: {  	_ =	shalt  }
0x48: {  	_ =	shalt  }
0x49: {  	_ =	shalt  }
0x4a: {  	_ =	shalt  }
0x4b: {  	_ =	shalt  }
0x4c: {  	_ =	shalt  }
0x4d: {  	_ =	shalt  }
0x4e: {  	_ =	shalt  }
0x4f: {  	_ =	shalt  }
0x50: {  	_ =	shalt  }
0x51: {  	_ =	shalt  }
0x52: {  	_ =	shalt  }
0x53: {  	_ =	shalt  }
0x54: {  	_ =	shalt  }
0x55: {  	_ =	shalt  }
0x56: {  	_ =	shalt  }
0x57: {  	_ =	shalt  }
0x58: {  	_ =	shalt  }
0x59: {  	_ =	shalt  }
0x5a: {  	_ =	shalt  }
0x5b: {  	_ =	shalt  }
0x5c: {  	_ =	shalt  }
0x5d: {  	_ =	shalt  }
0x5e: {  	_ =	shalt  }
0x5f: {  	_ =	shalt  }
0x60: {  	_ =	shalt  }
0x61: {  	_ =	shalt  }
0x62: {  	_ =	shalt  }
0x63: {  	_ =	shalt  }
0x64: {  	_ =	shalt  }
0x65: {  	_ =	shalt  }
0x66: {  	_ =	shalt  }
0x67: {  	_ =	shalt  }
0x68: {  	_ =	shalt  }
0x69: {  	_ =	shalt  }
0x6a: {  	_ =	shalt  }
0x6b: {  	_ =	shalt  }
0x6c: {  	_ =	shalt  }
0x6d: {  	_ =	shalt  }
0x6e: {  	_ =	shalt  }
0x6f: {  	_ =	shalt  }
0x70: {  	_ =	shalt  }
0x71: {  	_ =	shalt  }
0x72: {  	_ =	shalt  }
0x73: {  	_ =	shalt  }
0x74: {  	_ =	shalt  }
0x75: {  	_ =	shalt  }
0x76: {  	_ =	shalt  }
0x77: {  	_ =	shalt  }
0x78: {  	_ =	shalt  }
0x79: {  	_ =	shalt  }
0x7a: {  	_ =	shalt  }
0x7b: {  	_ =	shalt  }
0x7c: {  	_ =	shalt  }
0x7d: {  	_ =	shalt  }
0x7e: {  	_ =	shalt  }
0x7f: {  	_ =	shalt  }
0x80: {  	_ =	shalt  }
0x81: {  	_ =	shalt  }
0x82: {  	_ =	shalt  }
0x83: {  	_ =	shalt  }
0x84: {  	_ =	shalt  }
0x85: {  	_ =	shalt  }
0x86: {  	_ =	shalt  }
0x87: {  	_ =	shalt  }
.Lfunc_end0:
.L_simem_size_0:
called_computation.1_lowered:
.L_overlay_start_0:
0x88: {  	s2 =	sld [smem:$0x3FD9]  }
0x89: {  	s3 =	sld [smem:$0x3FFE];
	_ =	sdelay $0x1  }
0x8a: {  	s1 =	srdreg.scid  }
0x8b: {  	s0 =	sand.u32 $0x1, s1  }
0x8c: {  	s17 =	sshll.u32 s0, $0xA;
	s2 =	sadd.s32 s3, s2  }
0x8d: {  	s2 =	sadd.s32 s2, s17  }
0x8e: {  	[smem:$0x3FB7] =	sst s2  }
0x8f: {  	_ = 	snop  }
0x90: {  	s18 =	sld [smem:$0x3FD0];
	(tm) =	ssettm $0x1  }
0x91: {  	s19 =	sld [smem:$0x3FFB];
	_ =	sdelay $0x3  }
0x92: {  	_ =	strace s19  }
0x93: {  	s2 =	sld [smem:$0x3FFC];
	_ =	sdelay $0x3  }
0x94: {  	_ =	strace s2  }
0x95: {  	s2 =	sld [smem:$0x3FFD];
	_ =	sdelay $0x3  }
0x96: {  	_ =	strace s2  }
0x97: {  	_ =	strace $0x8FFFFFFF  }
0x98: {  	s20 =	sld [smem:$0x3FDB];
	_ =	sdelay $0x1  }
0x99: {  	s4 =	simm.s32 $_scs_section_size  }
0x9a: {  	s5 =	simm.s32 $_size__tile_overlayer_lowered;
	s6 =	simm.s32 $_tile_overlayer_lowered  }
0x9b: {  	s7 =	simm.s32 $0x1BFF;
	s21 =	sshll.u32 s6, $0x1;
	s4 =	sadd.s32 s4, s20  }
0x9c: {  	s22 =	simm.s32 $0x0;
	s5 =	sshll.u32 s5, $0x1;
	s6 =	sadd.s32 s21, s4  }
0x9d: {  	[timem:s22], [sflag:s7] =	dma.local [hbm:s6], s5  }
0x9e: {  	_ =	swait.ge [sflag:s7], s5  }
0x9f: {  	s5 =	ssub.s32 $0x0, s5;
	[sflag:s7] =	ssyncset.done $0x0  }
0xa0: {  	[sflag:s7] =	ssyncadd.s32 s5;
	_ =	sdelay $0x1  }
0xa1: {  	s23 =	simm.s32 $0x1B8B  }
0xa2: {  	_ =	swait.ge [sflag:s23], $0x1  }
0xa3: {  	[sflag:s23] =	ssyncset.done $0x0  }
0xa4: {  	[sflag:s23] =	ssyncadd.s32 $0xFFFFFFFF  }
0xa5: {  	s5 =	sld [smem:$0x0]  }
0xa6: {  	s6 =	sand.u32 $0xFFFFFFFE, s1  }
0xa7: {  	p0 =	sne.s32 s1, s6  }
0xa8: {  	s6 =	sshll.u32 @p0 s6, $0xE  }
0xa9: {  	s6 =	sadd.s32 @p0 $0x11B8D, s6;
	s7 =	sshll.u32 @p0 s5, $0x11  }
0xaa: {  	s6 =	sor.u32 @p0 s7, s6  }
0xab: {  	[sflag:s6] =	ssyncadd.remote.s32 @p0 $0x1;
	_ =	sdelay $0x1  }
0xac: {  	s6 =	simm.s32 @p0 $0x1B8D  }
0xad: {  	_ =	swait.eq @p0 [sflag:s6], $0x1  }
0xae: {  	[sflag:s6] =	ssyncadd.s32 @p0 $0xFFFFFFFF  }
0xaf: {  	s7 =	sshll.u32 @!p0 s1, $0xE  }
0xb0: {  	s7 =	sor.u32 @!p0 $0x4000, s7;
	s6 =	simm.s32 @!p0 $0x1B8D  }
0xb1: {  	s5 =	sshll.u32 @!p0 s5, $0x11;
	s7 =	sadd.s32 @!p0 $0x11B8D, s7;
	_ =	swait.eq @!p0 [sflag:s6], $0x1  }
0xb2: {  	s5 =	sor.u32 @!p0 s5, s7;
	[sflag:s6] =	ssyncadd.s32 @!p0 $0xFFFFFFFF  }
0xb3: {  	s25 =	simm.s32 $0x1B8E;
	s24 =	sld [smem:$0x3FFE];
	[sflag:s5] =	ssyncadd.remote.s32 @!p0 $0x1  }
0xb4: {  	s26 =	simm.s32 $execute0_lowered;
	[smem:$0x3FD2] =	sst s25  }
0xb5: {  	s6 =	sshll.u32 s26, $0x1;
	_ =	strace $0x8000004C;
	[dreg:$0x1] =	wrdreg $0xFFFFFFFF  }
0xb6: {  	s28 =	simm.s32 $_size_execute0_lowered;
	s4 =	sadd.s32 s4, s6;
	[dreg:$0x0] =	wrdreg $0x0  }
0xb7: {  	s6 =	sshll.u32 s28, $0x1;
	[dreg:$0x2] =	wrdreg s4  }
0xb8: {  	[dreg:$0x3] =	wrdreg s6  }
0xb9: {  	[dreg:$0x4] =	wrdreg $0xC0  }
0xba: {  	_ =	task [dreg:s22], $0x5FFFF  }
0xbb: {  	[dreg:$0x1] =	wrdreg $0xFFFFFFFF  }
0xbc: {  	[dreg:$0x0] =	wrdreg $0x60  }
0xbd: {  	[dreg:$0x2] =	wrdreg s24  }
0xbe: {  	[dreg:$0x3] =	wrdreg s18  }
0xbf: {  	[dreg:$0x4] =	wrdreg $0x51000  }
0xc0: {  	[dreg:$0x5] =	wrdreg $0x9  }
0xc1: {  	_ =	task.clear_ibuf [dreg:s22], $0x6FFFF;
	_ =	strace $0x9000004C  }
0xc2: {  	s29 =	simm.s32 $0x9;
	_ =	strace $0x8000004E  }
0xc3: {  	_ =	swait.ge [sflag:s29], $0x1  }
0xc4: {  	[sflag:s29] =	ssyncadd.s32 $0xFFFFFFFF  }
0xc5: {  	_ =	strace $0x9000004E  }
0xc6: {  	_ =	sfence  }
0xc7: {  	s30 =	sld [smem:$0x0];
	_ =	sdelay $0x2  }
0xc8: {  	s31 =	sshll.u32 s1, $0xD;
	s1 =	sshrl.u32 s1, $0x2  }
0xc9: {  	s4 =	sand.u32 $0x4000, s31;
	s1 =	sadd.s32 s1, s30  }
0xca: {  	s0 =	sor.u32 s4, s0;
	s1 =	sshll.u32 s1, $0x11  }
0xcb: {  	s0 =	sor.u32 s1, s0  }
0xcc: {  	s0 =	sadd.s32 $0x8F2B, s0  }
0xcd: {  	[sflag:s0] =	ssyncadd.remote.s32 $0x1  }
0xce: {  	_ =	sfence.sel $0xFFFF  }
0xcf: {  	[dreg:$0x0] =	wrdreg $0xFFFFFFFF;
	(pc) =	sbr.abs _section_cstart, $3  }
0xd0: {  	[dreg:$0x1] =	wrdreg $0xFFFFFFFF  }
0xd1: {  	_ =	task.clear_ibuf [dreg:s22], $0x2FFFF;
	_ =	strace $0x9FFFFFFF  }
0xd2: {  	(tm) =	ssettm $0x7FFFFFFF  }
0xd3: {  	_ =	shalt  }
tec
execute0_lowered:
.L_overlay_start_1:
0x0: {  	(tag) =	ssettag $0x1  }
0x1: {  	s5 =	rddreg [dreg:$0x0]  }
0x2: {  	s1 =	rddreg [dreg:$0x1]  }
0x3: {  	s2 =	rddreg [dreg:$0x2]  }
0x4: {  	s0 =	rddreg [dreg:$0x3];
	s3 =	simm.s32 $0x0;
	s9 =	stileid.u32  }
0x5: {  	s4 =	srdreg.scid;
	s17 =	simm.s32 $0x0;
	s14 =	smul.u32 $0x4E200, s9  }
0x6: {  	[smem:$0x7FF] =	sst s3;
	s7 =	sand.u32 $0x1, s4;
	s15 =	smul.u32 $0x4E20, s9  }
0x7: {  	s29 =	sshll.u32 s9, $0x1;
	s11 =	sadd.s32 $0x18D0200, s5;
	s10 =	smul.u32 $0x27100, s7  }
0x8: {  	s4 =	sadd.s32 $0xE200, s5;
	s6 =	sor.u32 s7, s29;
	s16 =	smul.u32 $0x2710, s7  }
0x9: {  	p0 =	sne.s32 s9, $0x0;
	s12 =	ssub.s32 $0x2, s7;
	s8 =	smul.u32 $0x2710, s6  }
0xa: {  	_ =	strace $0x8000004D;
	s6 =	smul.u32 $0x27100, s6;
	s30 =	sshrl.u32 s12, $0x1  }
0xb: {  	s13 =	sadd.s32 s10, s5;
	s12 =	ssub.s32 s12, s30;
	s31 =	sadd.s32 s16, s15  }
0xc: {  	s15 =	simm.s32 $0x50;
	s16 =	simm.s32 $0x4;
	s8 =	sshrl.u32 s8, $0x3  }
0xd: {  	s5 =	sadd.s32 s11, s6;
	s7 =	sadd.s32 $0xB4400, s13;
	s11 =	sadd.s32 s14, s11  }
0xe: {  	s13 =	simm.s32 $0x3;
	s14 =	simm.s32 $0x1;
	s6 =	sadd.s32 s4, s8  }
0xf: {  	s8 =	smax.u32 s12, $0x1;
	s10 =	sadd.s32 s10, s11;
	s11 =	sshrl.u32 @!p0 s2, $0x3  }
0x10: {  	s12 =	simm.s32 $0x80;
	s9 =	sadd.s32 $0x500, s10;
	s10 =	sadd.s32 $0x50, s31  }
.LBB2_1:
0x11: {  	s18 =	simm.s32 @!p0 $0x1C03  }
0x12: {  	[spmem:s11], [sflag:s18] =	dma.local @!p0 [hbm:s1], $0x27100  }
0x13: {  	s18 =	simm.s32 @!p0 $0x3  }
0x14: {  	_ =	swait.ge @!p0 [sflag:s18], $0x27100  }
0x15: {  	[sflag:s18] =	ssyncset.done @!p0 $0x0  }
0x16: {  	[sflag:s18] =	ssyncadd.s32 @!p0 $0xFFFD8F00  }
0x17: {  	[bflag:$0x0] =	sbarrier.arrive $0xFFFF  }
0x18: {  	[tilespmem:s12], [sflag:$0x1] =	stream.linear.gather [hbm4b:s5+s3], $0x2800, $0x38;
	[tilespmem:$0x18980] =	vst v63  }
0x19: {  	s30 =	sand.u32 $0x1, s3  }
0x1a: {  	[tilespmem:s3], [sflag:$0x3] =	stream.linear.gather [hbm4b:s6+s3], $0x50, $0x38;
	[tilespmem:$0x18980] =	vst v63  }
0x1b: {  	p1 =	seq.s32 s30, $0x1;
	_ =	swait.ge [sflag:s13], $0x50  }
0x1c: {  	s19 =	simm.s32 @p1 $0x80;
	[sflag:s13] =	ssyncset.done $0x0  }
0x1d: {  	s20 =	sshrl.u32 @p1 s10, $0x3;
	s18 =	simm.s32 @p1 $0x0;
	[sflag:s13] =	ssyncadd.s32 $0xFFFFFFB0  }
0x1e: {  	[tilespmem:s19], [sflag:$0x1] =	stream.linear.gather @p1 [hbm4b:s9+s18], $0x2800, $0x38;
	[tilespmem:$0x18980] =	vst v63  }
0x1f: {  	s19 =	sadd.s32 @p1 s4, s20;
	s20 =	simm.s32 @p1 $0x4  }
0x20: {  	[tilespmem:s18], [sflag:$0x4] =	stream.linear.gather @p1 [hbm4b:s19+s18], $0x50, $0x38;
	[tilespmem:$0x18980] =	vst v63  }
0x21: {  	_ =	swait.ge @p1 [sflag:s20], $0x50  }
0x22: {  	[sflag:s20] =	ssyncset.done @p1 $0x0  }
0x23: {  	s18 =	simm.s32 @p1 $0x2;
	[sflag:s20] =	ssyncadd.s32 @p1 $0xFFFFFFB0  }
0x24: {  	_ =	swait.ge @p1 [sflag:s18], $0x2800  }
0x25: {  	s21 =	simm.s32 @p1 $0x2880;
	[sflag:s18] =	ssyncset.done @p1 $0x0  }
0x26: {  	s19 =	simm.s32 @p1 $0x2900;
	s20 =	simm.s32 @p1 $0x50;
	[sflag:s18] =	ssyncadd.s32 @p1 $0xFFFFD800  }
0x27: {  	[spmem:s2] =	stream.indirect.scatter.add.f32 @p1 [tilespmem:s19], [sflag:$0x3], $0x80, s21, s20, $0xb8;
	[tilespmem:$0x18980] =	vst v63  }
0x28: {  	s18 =	simm.s32 @!p1 $0x0;
	s19 =	simm.s32 @!p1 $0x2900;
	s20 =	sshrl.u32 @!p1 s10, $0x3  }
0x29: {  	[tilespmem:s19], [sflag:$0x2] =	stream.linear.gather @!p1 [hbm4b:s9+s18], $0x2800, $0x38;
	[tilespmem:$0x18980] =	vst v63  }
0x2a: {  	s21 =	simm.s32 @!p1 $0x4;
	s20 =	sadd.s32 @!p1 s4, s20;
	s19 =	simm.s32 @!p1 $0x2880  }
0x2b: {  	[tilespmem:s19], [sflag:$0x4] =	stream.linear.gather @!p1 [hbm4b:s20+s18], $0x50, $0x38;
	[tilespmem:$0x18980] =	vst v63  }
0x2c: {  	_ =	swait.ge @!p1 [sflag:s21], $0x50  }
0x2d: {  	[sflag:s21] =	ssyncset.done @!p1 $0x0  }
0x2e: {  	s22 =	simm.s32 $0x1;
	s19 =	simm.s32 @!p1 $0x1;
	[sflag:s21] =	ssyncadd.s32 @!p1 $0xFFFFFFB0  }
0x2f: {  	s31 =	sand.u32 $0x1, s22;
	s23 =	simm.s32 @!p1 $0x50;
	_ =	swait.ge @!p1 [sflag:s19], $0x2800  }
0x30: {  	s24 =	simm.s32 @!p1 $0x80;
	s20 =	simm.s32 $0x2;
	[sflag:s19] =	ssyncset.done @!p1 $0x0  }
0x31: {  	s21 =	simm.s32 @p1 $0x3;
	[sflag:s19] =	ssyncadd.s32 @!p1 $0xFFFFD800;
	s19 =	sadd.s32 $0x50, s10  }
0x32: {  	[spmem:s2] =	stream.indirect.scatter.add.f32 @!p1 [tilespmem:s24], [sflag:$0x4], $0x80, s18, s23, $0xb8;
	[tilespmem:$0x18980] =	vst v63  }
0x33: {  	s18 =	sadd.s32 $0x500, s9;
	p1 =	seq.s32 s31, $0x1;
	_ =	swait.ge [sflag:s21], $0x2800  }
.LBB2_2:
0x34: {  	s22 =	simm.s32 @p1 $0x0  }
0x35: {  	s23 =	simm.s32 @p1 $0x80;
	[sflag:s21] =	ssyncset.done $0x0;
	s24 =	smov.u32 s20  }
0x36: {  	s20 =	sadd.s32 $0x1, s20;
	s25 =	sshrl.u32 @p1 s19, $0x3;
	[sflag:s21] =	ssyncadd.s32 $0xFFFFD800  }
0x37: {  	[tilespmem:s23], [sflag:$0x1] =	stream.linear.gather @p1 [hbm4b:s18+s22], $0x2800, $0x38;
	[tilespmem:$0x18980] =	vst v63  }
0x38: {  	p2 =	sne.s32 s20, $0x7C;
	s21 =	sadd.s32 @p1 s4, s25;
	s23 =	simm.s32 @p1 $0x4  }
0x39: {  	[tilespmem:s22], [sflag:$0x4] =	stream.linear.gather @p1 [hbm4b:s21+s22], $0x50, $0x38;
	[tilespmem:$0x18980] =	vst v63  }
0x3a: {  	_ =	swait.ge @p1 [sflag:s23], $0x50  }
0x3b: {  	s21 =	simm.s32 @p1 $0x2;
	[sflag:s23] =	ssyncset.done @p1 $0x0  }
0x3c: {  	[sflag:s23] =	ssyncadd.s32 @p1 $0xFFFFFFB0  }
0x3d: {  	s22 =	simm.s32 @p1 $0x2900;
	_ =	swait.ge @p1 [sflag:s21], $0x2800  }
0x3e: {  	s25 =	simm.s32 @p1 $0x2880;
	s23 =	simm.s32 @p1 $0x50;
	[sflag:s21] =	ssyncset.done @p1 $0x0  }
0x3f: {  	s26 =	simm.s32 @!p1 $0x0;
	[sflag:s21] =	ssyncadd.s32 @p1 $0xFFFFD800;
	s21 =	simm.s32 @!p1 $0x2900  }
0x40: {  	[spmem:s2] =	stream.indirect.scatter.add.f32 @p1 [tilespmem:s22], [sflag:$0x3], $0x80, s25, s23, $0xb8;
	[tilespmem:$0x18980] =	vst v63  }
0x41: {  	s22 =	sshrl.u32 @!p1 s19, $0x3;
	s23 =	simm.s32 @!p1 $0x2880  }
0x42: {  	[tilespmem:s21], [sflag:$0x2] =	stream.linear.gather @!p1 [hbm4b:s18+s26], $0x2800, $0x38;
	[tilespmem:$0x18980] =	vst v63  }
0x43: {  	s22 =	sadd.s32 @!p1 s4, s22;
	s21 =	simm.s32 @!p1 $0x4  }
0x44: {  	[tilespmem:s23], [sflag:$0x4] =	stream.linear.gather @!p1 [hbm4b:s22+s26], $0x50, $0x38;
	[tilespmem:$0x18980] =	vst v63  }
0x45: {  	_ =	swait.ge @!p1 [sflag:s21], $0x50  }
0x46: {  	s22 =	simm.s32 @!p1 $0x1;
	[sflag:s21] =	ssyncset.done @!p1 $0x0  }
0x47: {  	[sflag:s21] =	ssyncadd.s32 @!p1 $0xFFFFFFB0  }
.Ltmp0:
0x48: {  	s18 =	sadd.s32 $0x500, s18;
	_ =	swait.ge @!p1 [sflag:s22], $0x2800;
	(pc) =	sbr.rel @p2 .LBB2_2-.Ltmp0, $4  }
0x49: {  	s25 =	simm.s32 @!p1 $0x80;
	s23 =	simm.s32 @!p1 $0x50;
	[sflag:s22] =	ssyncset.done @!p1 $0x0  }
0x4a: {  	s24 =	sand.u32 $0x1, s24;
	s21 =	simm.s32 @p1 $0x3;
	[sflag:s22] =	ssyncadd.s32 @!p1 $0xFFFFD800  }
0x4b: {  	[spmem:s2] =	stream.indirect.scatter.add.f32 @!p1 [tilespmem:s25], [sflag:$0x4], $0x80, s26, s23, $0xb8;
	[tilespmem:$0x18980] =	vst v63  }
0x4c: {  	s19 =	sadd.s32 $0x50, s19;
	p1 =	seq.s32 s24, $0x1;
	_ =	swait.ge [sflag:s21], $0x2800  }
0x4d: {  	s20 =	simm.s32 @p1 $0x0;
	[sflag:s21] =	ssyncset.done $0x0  }
0x4e: {  	s22 =	simm.s32 @p1 $0x80;
	s23 =	sshrl.u32 @p1 s19, $0x3;
	[sflag:s21] =	ssyncadd.s32 $0xFFFFD800  }
0x4f: {  	[tilespmem:s22], [sflag:$0x1] =	stream.linear.gather @p1 [hbm4b:s18+s20], $0x2800, $0x38;
	[tilespmem:$0x18980] =	vst v63  }
0x50: {  	s21 =	sadd.s32 @p1 s4, s23;
	s22 =	simm.s32 @p1 $0x4  }
0x51: {  	[tilespmem:s20], [sflag:$0x4] =	stream.linear.gather @p1 [hbm4b:s21+s20], $0x50, $0x38;
	[tilespmem:$0x18980] =	vst v63  }
0x52: {  	_ =	swait.ge @p1 [sflag:s22], $0x50  }
0x53: {  	[sflag:s22] =	ssyncset.done @p1 $0x0  }
0x54: {  	s20 =	simm.s32 @p1 $0x2;
	[sflag:s22] =	ssyncadd.s32 @p1 $0xFFFFFFB0  }
0x55: {  	_ =	swait.ge @p1 [sflag:s20], $0x2800  }
0x56: {  	s23 =	simm.s32 @p1 $0x2880;
	[sflag:s20] =	ssyncset.done @p1 $0x0  }
0x57: {  	s21 =	simm.s32 @p1 $0x2900;
	s22 =	simm.s32 @p1 $0x50;
	[sflag:s20] =	ssyncadd.s32 @p1 $0xFFFFD800  }
0x58: {  	[spmem:s2] =	stream.indirect.scatter.add.f32 @p1 [tilespmem:s21], [sflag:$0x3], $0x80, s23, s22, $0xb8;
	[tilespmem:$0x18980] =	vst v63  }
0x59: {  	s19 =	sshrl.u32 @!p1 s19, $0x3;
	s20 =	simm.s32 @!p1 $0x0;
	s21 =	simm.s32 @!p1 $0x2900  }
0x5a: {  	[tilespmem:s21], [sflag:$0x2] =	stream.linear.gather @!p1 [hbm4b:s18+s20], $0x2800, $0x38;
	[tilespmem:$0x18980] =	vst v63  }
0x5b: {  	s19 =	sadd.s32 @!p1 s4, s19;
	s18 =	simm.s32 @!p1 $0x2880;
	s21 =	simm.s32 @!p1 $0x4  }
0x5c: {  	[tilespmem:s18], [sflag:$0x4] =	stream.linear.gather @!p1 [hbm4b:s19+s20], $0x50, $0x38;
	[tilespmem:$0x18980] =	vst v63  }
0x5d: {  	_ =	swait.ge @!p1 [sflag:s21], $0x50  }
0x5e: {  	[sflag:s21] =	ssyncset.done @!p1 $0x0  }
0x5f: {  	s18 =	simm.s32 @!p1 $0x1;
	[sflag:s21] =	ssyncadd.s32 @!p1 $0xFFFFFFB0  }
0x60: {  	_ =	swait.ge @!p1 [sflag:s18], $0x2800  }
0x61: {  	s22 =	simm.s32 @!p1 $0x80;
	[sflag:s18] =	ssyncset.done @!p1 $0x0  }
0x62: {  	s19 =	simm.s32 @!p1 $0x50;
	s21 =	simm.s32 @p1 $0x3;
	[sflag:s18] =	ssyncadd.s32 @!p1 $0xFFFFD800  }
0x63: {  	[spmem:s2] =	stream.indirect.scatter.add.f32 @!p1 [tilespmem:s22], [sflag:$0x4], $0x80, s20, s19, $0xb8;
	[tilespmem:$0x18980] =	vst v63  }
0x64: {  	_ =	swait.ge [sflag:s21], $0x2800  }
0x65: {  	[sflag:s21] =	ssyncset.done $0x0  }
0x66: {  	[sflag:s21] =	ssyncadd.s32 $0xFFFFD800  }
0x67: {  	_ =	swait.ge [sflag:s14], $0x2800  }
0x68: {  	[sflag:s14] =	ssyncset.done $0x0  }
0x69: {  	[sflag:s14] =	ssyncadd.s32 $0xFFFFD800  }
0x6a: {  	[spmem:s2] =	stream.indirect.scatter.add.f32 [tilespmem:s12], [sflag:$0x4], $0x80, s3, s15, $0xb8;
	[tilespmem:$0x18980] =	vst v63  }
0x6b: {  	_ =	swait.ge [sflag:s16], $0x2800  }
0x6c: {  	[sflag:s16] =	ssyncset.done $0x0  }
0x6d: {  	s17 =	sadd.s32 $0x1, s17;
	[sflag:s16] =	ssyncadd.s32 $0xFFFFD800  }
0x6e: {  	s18 =	simm.s32 @!p0 $0x1C03;
	p1 =	sne.s32 s17, s8;
	[bflag:$0x0] =	sbarrier.arrive $0xFFFF  }
0x6f: {  	[hbm:s7], [sflag:s18] =	dma.local @!p0 [spmem:s11], $0x27100  }
.Ltmp1:
0x70: {  	_ = 	snop;
	(pc) =	sbr.rel @p1 .LBB2_1-.Ltmp1, $4  }
0x71: {  	s18 =	simm.s32 @!p0 $0x3  }
0x72: {  	_ =	swait.ge @!p0 [sflag:s18], $0x27100  }
0x73: {  	[sflag:s18] =	ssyncset.done @!p0 $0x0  }
0x74: {  	[sflag:s18] =	ssyncadd.s32 @!p0 $0xFFFD8F00  }
0x75: {  	_ =	sfence.sel $0x180000  }
0x76: {  	[bflag:$0x0] =	sbarrier.arrive $0xFFFF  }
0x77: {  	_ =	strace $0x9000004D  }
0x78: {  	s0 =	sadd.s32 @!p0 $0x100000, s0;
	[bflag:$0x2] =	sbarrier.arrive $0xFFFF  }
0x79: {  	[sflag:s0] =	ssyncadd.tile.s32 @!p0 $0x1;
	_ =	shalt  }
.Lfunc_end2:
_tile_overlayer_lowered:
.L_overlay_start_2:
0x7a: {  	(tag) =	ssettag $0x2  }
0x7b: {  	s0 =	rddreg [dreg:$0x0];
	s2 =	stileid.u32  }
0x7c: {  	s1 =	rddreg [dreg:$0x1];
	p0 =	sne.s32 s2, $0x0  }
0x7d: {  	s3 =	rddreg [dreg:$0x2];
	[bflag:$0x3] =	sbarrier.arrive $0xFFFF;
	s2 =	simm.s32 @!p0 $0x1C03  }
0x7e: {  	[timem:s3], [sflag:s2] =	dma.local @!p0 [hbm:s0], s1  }
0x7f: {  	s0 =	simm.s32 @!p0 $0x3  }
0x80: {  	_ =	swait.ge @!p0 [sflag:s0], s1  }
0x81: {  	s1 =	ssub.s32 @!p0 $0x0, s1;
	[sflag:s0] =	ssyncset.done @!p0 $0x0  }
0x82: {  	[sflag:s0] =	ssyncadd.s32 @!p0 s1  }
0x83: {  	[bflag:$0x3] =	sbarrier.arrive $0xFFFF  }
0x84: {  	_ =	shalt  }

// kernel: kernel.14.cloned.1.call-start
scs
__scs_entry_jumppad:
0x0: {  	(pc) =	sbr.rel $0x88, $3  }
0x1: {  	(tag) =	ssettag $0x0;
	lr =	simm.s32 $0x1  }
0x2: {  	[smem:$0x3F90] =	sst lr;
	_ =	strace $0xD0000000  }
0x3: {  	_ = 	snop  }
0x4: {  	_ = 	snop  }
0x5: {  	_ = 	snop  }
0x6: {  	_ = 	snop  }
0x7: {  	_ = 	snop  }
__scs_overlays_trampoline_lowered:
0x8: {  	[smem:$0x3F9F] =	sst s0  }
0x9: {  	[smem:$0x3FA0] =	sst s1  }
0xa: {  	[smem:$0x3FA1] =	sst s2  }
0xb: {  	[smem:$0x3FA2] =	sst s3  }
0xc: {  	[smem:$0x3FA3] =	sst s4  }
0xd: {  	[smem:$0x3FA4] =	sst s5  }
0xe: {  	[smem:$0x3FA5] =	sst s6  }
0xf: {  	[smem:$0x3FA6] =	sst s7  }
0x10: {  	[smem:$0x3FA7] =	sst s8  }
0x11: {  	[smem:$0x3FA8] =	sst s9;
	s0 =	simm.s32 @!p0 $0x0  }
0x12: {  	s1 =	sld [smem:$0x3F8E];
	s0 =	simm.s32 @p0 $0x1  }
0x13: {  	[smem:$0x3FA9] =	sst s0;
	s0 =	simm.s32 @!p1 $0x0  }
0x14: {  	s2 =	sld [smem:$0x3F8D];
	s0 =	simm.s32 @p1 $0x1  }
0x15: {  	[smem:$0x3FAA] =	sst s0;
	s0 =	simm.s32 @!p2 $0x0  }
0x16: {  	s3 =	sld [smem:$0x3FDB];
	s0 =	simm.s32 @p2 $0x1  }
0x17: {  	s4 =	simm.s32 $0x1BF5;
	[smem:$0x3FAC] =	sst s0  }
0x18: {  	s0 =	sld [smem:$0x3F8F];
	_ =	swait.ge [sflag:s4], $0x0  }
0x19: {  	s7 =	sld [smem:$0x3F90]  }
0x1a: {  	s8 =	sadd.s32 $0xFFFFE003, lr  }
0x1b: {  	s9 =	sadd.s32 $0xFFFFFEF7, lr;
	s5 =	simm.s32 $0xFFFFFFFF;
	p2 =	slt.u32 s8, $0xFFFFF086  }
0x1c: {  	p1 =	slt.u32 s9, $0xF7A;
	s5 =	simm.s32 @!p2 $0x0  }
0x1d: {  	s5 =	simm.s32 @p1 $0x1;
	p0 =	seq.s32 s7, s2  }
0x1e: {  	s7 =	smul.u32 @!p0 $0xF7A, s2;
	p2 =	seq.s32 @!p0 s5, $0x0  }
0x1f: {  	s9 =	smul.u32 $0xF7A, s1;
	s8 =	simm.s32 @!p0 $0x1BF5;
	p2 =	por !p2, p0  }
0x20: {  	[sflag:s8] =	ssyncset.s32 @!p0 $0xFFFFF086;
	s6 =	sadd.s32 @!p0 s3, s7;
	s7 =	simm.s32 @!p0 $0x108  }
0x21: {  	s3 =	sadd.s32 s3, s9;
	s6 =	sadd.s32 @!p0 $0x88, s6;
	s7 =	simm.s32 @p2 $0x1082  }
0x22: {  	[simem:s7], [sflag:s8] =	dma.local @!p0 [hbm:s6], $0xF7A  }
0x23: {  	s9 =	sor.u32 $0xD0000000, s2;
	s6 =	simm.s32 $0x108;
	_ =	swait.ge @!p0 [sflag:s8], $0x0  }
0x24: {  	s3 =	sadd.s32 $0x88, s3;
	s6 =	simm.s32 @!p1 $0x1082;
	[sflag:s4] =	ssyncset.s32 $0xFFFFF086  }
0x25: {  	[simem:s6], [sflag:s4] =	dma.local [hbm:s3], $0xF7A  }
0x26: {  	[smem:$0x3F90] =	sst s1;
	(tag) =	ssettag s2;
	_ =	strace s9  }
0x27: {  	s1 =	sld [smem:$0x3FA0]  }
0x28: {  	s2 =	sld [smem:$0x3FA1]  }
0x29: {  	s4 =	sld [smem:$0x3FA3]  }
0x2a: {  	p0 =	seq.s32 s5, $0x0;
	s5 =	sld [smem:$0x3FA4]  }
0x2b: {  	s6 =	sld [smem:$0x3FA5]  }
0x2c: {  	s7 =	sld [smem:$0x3FA6]  }
0x2d: {  	s3 =	simm.s32 $0x108;
	s8 =	sld [smem:$0x3FA7]  }
0x2e: {  	s3 =	simm.s32 @!p0 $0x1082;
	s9 =	sld [smem:$0x3FA8]  }
0x2f: {  	lr =	sadd.s32 s0, s3;
	s0 =	sld [smem:$0x3F9F]  }
0x30: {  	s3 =	sld [smem:$0x3FA2]  }
0x31: {  	[smem:$0x3FAB] =	sst s10  }
0x32: {  	s10 =	sld [smem:$0x3FA9];
	_ =	sdelay $0x3  }
0x33: {  	p0 =	seq.s32 s10, $0x1;
	s10 =	sld [smem:$0x3FAB];
	_ =	sdelay $0x3  }
0x34: {  	[smem:$0x3FAB] =	sst s10  }
0x35: {  	s10 =	sld [smem:$0x3FAA];
	_ =	sdelay $0x3  }
0x36: {  	p1 =	seq.s32 s10, $0x1;
	s10 =	sld [smem:$0x3FAB];
	_ =	sdelay $0x3  }
0x37: {  	[smem:$0x3FAB] =	sst s10  }
0x38: {  	s10 =	sld [smem:$0x3FAC]  }
0x39: {  	_ = 	snop;
	(pc) =	sbr.ind lr, $3  }
0x3a: {  	_ = 	snop  }
0x3b: {  	_ = 	snop  }
0x3c: {  	p2 =	seq.s32 s10, $0x1;
	s10 =	sld [smem:$0x3FAB]  }
0x3d: {  	_ =	shalt  }
0x3e: {  	_ =	shalt  }
0x3f: {  	_ =	shalt  }
0x40: {  	_ =	shalt  }
0x41: {  	_ =	shalt  }
0x42: {  	_ =	shalt  }
0x43: {  	_ =	shalt  }
0x44: {  	_ =	shalt  }
0x45: {  	_ =	shalt  }
0x46: {  	_ =	shalt  }
0x47: {  	_ =	shalt  }
0x48: {  	_ =	shalt  }
0x49: {  	_ =	shalt  }
0x4a: {  	_ =	shalt  }
0x4b: {  	_ =	shalt  }
0x4c: {  	_ =	shalt  }
0x4d: {  	_ =	shalt  }
0x4e: {  	_ =	shalt  }
0x4f: {  	_ =	shalt  }
0x50: {  	_ =	shalt  }
0x51: {  	_ =	shalt  }
0x52: {  	_ =	shalt  }
0x53: {  	_ =	shalt  }
0x54: {  	_ =	shalt  }
0x55: {  	_ =	shalt  }
0x56: {  	_ =	shalt  }
0x57: {  	_ =	shalt  }
0x58: {  	_ =	shalt  }
0x59: {  	_ =	shalt  }
0x5a: {  	_ =	shalt  }
0x5b: {  	_ =	shalt  }
0x5c: {  	_ =	shalt  }
0x5d: {  	_ =	shalt  }
0x5e: {  	_ =	shalt  }
0x5f: {  	_ =	shalt  }
0x60: {  	_ =	shalt  }
0x61: {  	_ =	shalt  }
0x62: {  	_ =	shalt  }
0x63: {  	_ =	shalt  }
0x64: {  	_ =	shalt  }
0x65: {  	_ =	shalt  }
0x66: {  	_ =	shalt  }
0x67: {  	_ =	shalt  }
0x68: {  	_ =	shalt  }
0x69: {  	_ =	shalt  }
0x6a: {  	_ =	shalt  }
0x6b: {  	_ =	shalt  }
0x6c: {  	_ =	shalt  }
0x6d: {  	_ =	shalt  }
0x6e: {  	_ =	shalt  }
0x6f: {  	_ =	shalt  }
0x70: {  	_ =	shalt  }
0x71: {  	_ =	shalt  }
0x72: {  	_ =	shalt  }
0x73: {  	_ =	shalt  }
0x74: {  	_ =	shalt  }
0x75: {  	_ =	shalt  }
0x76: {  	_ =	shalt  }
0x77: {  	_ =	shalt  }
0x78: {  	_ =	shalt  }
0x79: {  	_ =	shalt  }
0x7a: {  	_ =	shalt  }
0x7b: {  	_ =	shalt  }
0x7c: {  	_ =	shalt  }
0x7d: {  	_ =	shalt  }
0x7e: {  	_ =	shalt  }
0x7f: {  	_ =	shalt  }
0x80: {  	_ =	shalt  }
0x81: {  	_ =	shalt  }
0x82: {  	_ =	shalt  }
0x83: {  	_ =	shalt  }
0x84: {  	_ =	shalt  }
0x85: {  	_ =	shalt  }
0x86: {  	_ =	shalt  }
0x87: {  	_ =	shalt  }
.Lfunc_end0:
.L_simem_size_0:
called_computation.2_lowered:
.L_overlay_start_0:
0x88: {  	s2 =	sld [smem:$0x3FD9]  }
0x89: {  	s3 =	sld [smem:$0x3FFE];
	_ =	sdelay $0x1  }
0x8a: {  	s1 =	srdreg.scid  }
0x8b: {  	s0 =	sand.u32 $0x1, s1  }
0x8c: {  	s16 =	sshll.u32 s0, $0xA;
	s2 =	sadd.s32 s3, s2  }
0x8d: {  	s2 =	sadd.s32 s2, s16  }
0x8e: {  	[smem:$0x3FB7] =	sst s2  }
0x8f: {  	_ = 	snop  }
0x90: {  	(tm) =	ssettm $0x1  }
0x91: {  	s17 =	sld [smem:$0x3FFB];
	_ =	sdelay $0x3  }
0x92: {  	_ =	strace s17  }
0x93: {  	s2 =	sld [smem:$0x3FFC];
	_ =	sdelay $0x3  }
0x94: {  	_ =	strace s2  }
0x95: {  	s2 =	sld [smem:$0x3FFD];
	_ =	sdelay $0x3  }
0x96: {  	_ =	strace s2  }
0x97: {  	_ =	strace $0x8FFFFFFF  }
0x98: {  	s18 =	sld [smem:$0x3FDB];
	_ =	sdelay $0x1  }
0x99: {  	s19 =	simm.s32 $_scs_section_size  }
0x9a: {  	s4 =	simm.s32 $_size__tile_overlayer_lowered;
	s5 =	simm.s32 $_tile_overlayer_lowered  }
0x9b: {  	s22 =	simm.s32 $0x1BFF;
	s21 =	sshll.u32 s5, $0x1;
	s2 =	sadd.s32 s19, s18  }
0x9c: {  	s6 =	simm.s32 $0x0;
	s20 =	sshll.u32 s4, $0x1;
	s4 =	sadd.s32 s21, s2  }
0x9d: {  	[timem:s6], [sflag:s22] =	dma.local [hbm:s4], s20  }
0x9e: {  	_ =	swait.ge [sflag:s22], s20  }
0x9f: {  	s3 =	ssub.s32 $0x0, s20;
	[sflag:s22] =	ssyncset.done $0x0  }
0xa0: {  	[sflag:s22] =	ssyncadd.s32 s3;
	_ =	sdelay $0x1  }
0xa1: {  	s23 =	simm.s32 $0x1B8B  }
0xa2: {  	_ =	swait.ge [sflag:s23], $0x1  }
0xa3: {  	[sflag:s23] =	ssyncset.done $0x0  }
0xa4: {  	s25 =	simm.s32 $0x1B8E;
	s24 =	sld [smem:$0x3FFE];
	[sflag:s23] =	ssyncadd.s32 $0xFFFFFFFF  }
0xa5: {  	s26 =	simm.s32 $execute0_lowered;
	[smem:$0x3FD2] =	sst s25  }
0xa6: {  	s4 =	sshll.u32 s26, $0x1;
	_ =	strace $0x80000049;
	[dreg:$0x1] =	wrdreg $0xFFFFFFFF  }
0xa7: {  	s28 =	simm.s32 $_size_execute0_lowered;
	s2 =	sadd.s32 s2, s4;
	[dreg:$0x0] =	wrdreg $0x0  }
0xa8: {  	s4 =	sshll.u32 s28, $0x1;
	[dreg:$0x2] =	wrdreg s2  }
0xa9: {  	[dreg:$0x3] =	wrdreg s4  }
0xaa: {  	[dreg:$0x4] =	wrdreg $0xC0  }
0xab: {  	_ =	task [dreg:s6], $0x5FFFF  }
0xac: {  	[dreg:$0x1] =	wrdreg $0xFFFFFFFF  }
0xad: {  	[dreg:$0x0] =	wrdreg $0x60  }
0xae: {  	[dreg:$0x2] =	wrdreg s24  }
0xaf: {  	[dreg:$0x3] =	wrdreg $0xA  }
0xb0: {  	_ =	task.clear_ibuf [dreg:s6], $0x4FFFF;
	_ =	strace $0x90000049  }
0xb1: {  	s29 =	simm.s32 $0xA;
	_ =	strace $0x8000004B  }
0xb2: {  	_ =	swait.ge [sflag:s29], $0x1  }
0xb3: {  	[sflag:s29] =	ssyncadd.s32 $0xFFFFFFFF  }
0xb4: {  	_ =	strace $0x9000004B  }
0xb5: {  	_ =	sfence  }
0xb6: {  	s30 =	sld [smem:$0x0];
	_ =	sdelay $0x2  }
0xb7: {  	s31 =	sshll.u32 s1, $0xD;
	s1 =	sshrl.u32 s1, $0x2  }
0xb8: {  	s3 =	sand.u32 $0x4000, s31;
	s1 =	sadd.s32 s1, s30  }
0xb9: {  	s0 =	sor.u32 s3, s0;
	s1 =	sshll.u32 s1, $0x11  }
0xba: {  	s0 =	sor.u32 s1, s0  }
0xbb: {  	s0 =	sadd.s32 $0x8F2B, s0  }
0xbc: {  	[sflag:s0] =	ssyncadd.remote.s32 $0x1  }
0xbd: {  	_ =	sfence.sel $0xFFFF  }
0xbe: {  	[dreg:$0x0] =	wrdreg $0xFFFFFFFF;
	(pc) =	sbr.abs _section_cstart, $3  }
0xbf: {  	[dreg:$0x1] =	wrdreg $0xFFFFFFFF  }
0xc0: {  	_ =	task.clear_ibuf [dreg:s6], $0x2FFFF;
	_ =	strace $0x9FFFFFFF  }
0xc1: {  	(tm) =	ssettm $0x7FFFFFFF  }
tec
execute0_lowered:
.L_overlay_start_1:
0x0: {  	(tag) =	ssettag $0x1  }
0x1: {  	s6 =	rddreg [dreg:$0x0]  }
0x2: {  	s2 =	srdreg.scid;
	s1 =	stileid.u32  }
0x3: {  	s0 =	rddreg [dreg:$0x1];
	s13 =	simm.s32 $0x80;
	s14 =	simm.s32 $0x2  }
0x4: {  	s15 =	simm.s32 $0x300;
	s16 =	simm.s32 $0x400;
	s17 =	simm.s32 $0x1  }
0x5: {  	s18 =	simm.s32 $0x0;
	s5 =	sand.u32 $0x1, s2;
	s3 =	sshll.u32 s1, $0x1  }
0x6: {  	s2 =	simm.s32 $0x0;
	s28 =	sshrl.u32 s1, $0x2;
	s4 =	sadd.s32 $0xE200, s6  }
0x7: {  	s7 =	sor.u32 s5, s3;
	[smem:$0x7FF] =	sst s2;
	s8 =	smul.u32 $0x9C400, s28  }
0x8: {  	s3 =	sadd.s32 $0x18000, s6;
	s30 =	ssub.s32 $0x2, s5;
	s29 =	sshll.u32 s7, $0x7  }
0x9: {  	s5 =	sadd.s32 $0x4400, s6;
	s10 =	smul.u32 $0x2710, s7;
	s9 =	sand.u32 $0x380, s29  }
.Ltmp0:
0xa: {  	_ =	strace $0x8000004A;
	s8 =	sor.u32 s8, s9;
	(pc) =	sbr.rel .LBB2_1-.Ltmp0, $4  }
0xb: {  	s31 =	sshrl.u32 s30, $0x1;
	s7 =	sshrl.u32 s10, $0x3;
	s8 =	sshrl.u32 s8, $0x3  }
0xc: {  	s12 =	ssub.s32 s30, s31;
	s7 =	sadd.s32 s4, s7;
	s11 =	sadd.s32 s8, s6  }
0xd: {  	v1 =	vlaneseq.u32;
	s6 =	sadd.s32 s3, s10;
	s8 =	sadd.s32 $0x50, s10;
	s10 =	smax.u32 s12, $0x1  }
0xe: {  	vm0 =	vcmask $0x3F20;
	v0 =	vshrl.u32 v1, $0x3;
	v1 =	vand.u32 $0x7, v1;
	s12 =	simm.s32 $0x3;
	s9 =	sadd.s32 $0x66200, s11;
	s11 =	simm.s32 $0x600  }
.LBB2_10:
0xf: {  	s18 =	sadd.s32 $0x1, s18  }
0x10: {  	p0 =	sne.s32 s18, s10  }
.Ltmp1:
0x11: {  	_ = 	snop;
	(pc) =	sbr.rel @!p0 .LBB2_11-.Ltmp1, $4  }
0x12: {  	[hbm4b:s9+s13] =	stream.strided.scatter [tilespmem:s11], [sflag:$0x3], $0x13880, s16, s13, $0x38;
	[tilespmem:$0x13E80] =	vst v63  }
0x13: {  	_ =	swait.ge [sflag:s12], $0x13880  }
0x14: {  	[sflag:s12] =	ssyncset.done $0x0  }
0x15: {  	[sflag:s12] =	ssyncadd.s32 $0xFFFEC780  }
.LBB2_1:
0x16: {  	[tilespmem:s11], [sflag:$0x3] =	stream.linear.gather [hbm4b:s5+s2], $0x13880, $0x38;
	[tilespmem:$0x13E80] =	vst v63  }
0x17: {  	_ =	swait.ge [sflag:s12], $0x13880  }
0x18: {  	[sflag:s12] =	ssyncset.done $0x0  }
0x19: {  	[sflag:s12] =	ssyncadd.s32 $0xFFFEC780  }
0x1a: {  	[tilespmem:s13], [sflag:$0x1] =	stream.linear.gather [hbm4b:s6+s2], $0x280, $0x38;
	[tilespmem:$0x13E80] =	vst v63  }
.Ltmp2:
0x1b: {  	_ = 	snop;
	(pc) =	sbr.rel .LBB2_2-.Ltmp2, $4  }
0x1c: {  	[tilespmem:s2], [sflag:$0x3] =	stream.linear.gather [hbm4b:s7+s2], $0x50, $0x38;
	[tilespmem:$0x13E80] =	vst v63  }
0x1d: {  	_ =	swait.ge [sflag:s12], $0x50  }
0x1e: {  	[sflag:s12] =	ssyncset.done $0x0  }
0x1f: {  	s19 =	simm.s32 $0x0;
	[sflag:s12] =	ssyncadd.s32 $0xFFFFFFB0  }
.LBB2_5:
0x20: {  	v2 =	vshll.u32 v3, $0x3;
	s20 =	sshra.s32 s20, $0x2  }
0x21: {  	v3 =	vld [tilespmem:s20+$0x80];
	v2 =	vor.u32 v1, v2;
	_ =	sdelay $0x4  }
0x22: {  	[tilespmem:v2+s11+$0x0] =	vst.idx.add.f32.msk $0xff, v3  }
0x23: {  	[tilespmem:v2+s11+$0x0] =	vst.idx.add.f32.msk vm0, v3  }
.LBB2_9:
0x24: {  	s19 =	sadd.s32 $0x1, s19  }
0x25: {  	p0 =	sne.s32 s19, $0x7D  }
.Ltmp3:
0x26: {  	_ = 	snop;
	(pc) =	sbr.rel @!p0 .LBB2_10-.Ltmp3, $1  }
0x27: {  	_ =	sdelay $0x3  }
.LBB2_2:
0x28: {  	s20 =	sand.u32 $0x1, s19  }
0x29: {  	p0 =	seq.s32 s20, $0x1  }
.Ltmp4:
0x2a: {  	_ = 	snop;
	(pc) =	sbr.rel @!p0 .LBB2_3-.Ltmp4, $1  }
0x2b: {  	_ =	sdelay $0x3  }
0x2c: {  	s20 =	smul.u32 $0x50, s19;
	_ =	sdelay $0x1  }
0x2d: {  	s21 =	sadd.s32 s20, s8  }
0x2e: {  	s20 =	simm.s32 $0x0;
	s22 =	sadd.s32 s3, s21;
	s21 =	sshrl.u32 s21, $0x3  }
0x2f: {  	[tilespmem:s13], [sflag:$0x1] =	stream.linear.gather [hbm4b:s22+s20], $0x280, $0x38;
	[tilespmem:$0x13E80] =	vst v63  }
0x30: {  	s21 =	sadd.s32 s4, s21  }
0x31: {  	[tilespmem:s20], [sflag:$0x3] =	stream.linear.gather [hbm4b:s21+s20], $0x50, $0x38;
	[tilespmem:$0x13E80] =	vst v63  }
0x32: {  	_ =	swait.ge [sflag:s12], $0x50  }
0x33: {  	[sflag:s12] =	ssyncset.done $0x0  }
0x34: {  	[sflag:s12] =	ssyncadd.s32 $0xFFFFFFB0  }
0x35: {  	_ =	swait.ge [sflag:s14], $0x280  }
0x36: {  	[sflag:s14] =	ssyncset.done $0x0  }
0x37: {  	[sflag:s14] =	ssyncadd.s32 $0xFFFFFD80  }
0x38: {  	v2 =	vmov v0;
	s21 =	simm.s32 $0x40;
	v3 =	vld.idx.msk [tilespmem:v0+s15+$0x0], $0xffff  }
.LBB2_7:
0x39: {  	p0 =	sne.s32 s21, $0x9C0;
	_ =	sdelay $0x3  }
0x3a: {  	s22 =	sshra.s32 s20, $0x2;
	s20 =	smov.u32 s21;
	v3 =	vshll.u32 v3, $0x3  }
0x3b: {  	v3 =	vor.u32 v1, v3;
	v4 =	vld [tilespmem:s22+$0x380];
	_ =	sdelay $0x1  }
0x3c: {  	v2 =	vadd.s32 $0x2, v2;
	_ =	sdelay $0x1  }
.Ltmp5:
0x3d: {  	(pc) =	sbr.rel @p0 .LBB2_7-.Ltmp5, $4  }
0x3e: {  	[tilespmem:v3+s11+$0x0] =	vst.idx.add.f32.msk $0xff, v4  }
0x3f: {  	[tilespmem:v3+s11+$0x0] =	vst.idx.add.f32.msk vm0, v4  }
0x40: {  	v3 =	vld.idx.msk [tilespmem:v2+s15+$0x0], $0xffff  }
0x41: {  	s21 =	sadd.s32 $0x40, s21  }
0x42: {  	_ =	sdelay $0x2  }
0x43: {  	s20 =	sshra.s32 s20, $0x2;
	v2 =	vshll.u32 v3, $0x3  }
0x44: {  	v3 =	vld [tilespmem:s20+$0x380];
	v2 =	vor.u32 v1, v2;
	_ =	sdelay $0x1  }
.Ltmp6:
0x45: {  	_ = 	snop;
	(pc) =	sbr.rel .LBB2_9-.Ltmp6, $3  }
0x46: {  	_ =	sdelay $0x1  }
0x47: {  	[tilespmem:v2+s11+$0x0] =	vst.idx.add.f32.msk $0xff, v3  }
0x48: {  	[tilespmem:v2+s11+$0x0] =	vst.idx.add.f32.msk vm0, v3  }
.LBB2_3:
0x49: {  	p0 =	seq.s32 s19, $0x7C  }
0x4a: {  	s20 =	smul.u32 @!p0 $0x50, s19;
	_ =	sdelay $0x1  }
0x4b: {  	s22 =	simm.s32 @!p0 $0x0;
	s20 =	sadd.s32 @!p0 s20, s8  }
0x4c: {  	s23 =	simm.s32 @!p0 $0x380;
	s21 =	sadd.s32 @!p0 s3, s20;
	s20 =	sshrl.u32 @!p0 s20, $0x3  }
0x4d: {  	[tilespmem:s23], [sflag:$0x2] =	stream.linear.gather @!p0 [hbm4b:s21+s22], $0x280, $0x38;
	[tilespmem:$0x13E80] =	vst v63  }
0x4e: {  	s20 =	sadd.s32 @!p0 s4, s20;
	s21 =	simm.s32 @!p0 $0x300  }
0x4f: {  	[tilespmem:s21], [sflag:$0x3] =	stream.linear.gather @!p0 [hbm4b:s20+s22], $0x50, $0x38;
	[tilespmem:$0x13E80] =	vst v63  }
0x50: {  	s20 =	simm.s32 @!p0 $0x3  }
0x51: {  	_ =	swait.ge @!p0 [sflag:s20], $0x50  }
0x52: {  	[sflag:s20] =	ssyncset.done @!p0 $0x0  }
0x53: {  	[sflag:s20] =	ssyncadd.s32 @!p0 $0xFFFFFFB0  }
0x54: {  	_ =	swait.ge [sflag:s17], $0x280  }
0x55: {  	[sflag:s17] =	ssyncset.done $0x0  }
0x56: {  	[sflag:s17] =	ssyncadd.s32 $0xFFFFFD80  }
0x57: {  	v2 =	vmov v0;
	s21 =	simm.s32 $0x40;
	s20 =	simm.s32 $0x0;
	v3 =	vld.idx.msk [tilespmem:v0+s2+$0x0], $0xffff  }
.LBB2_4:
0x58: {  	p0 =	seq.s32 s21, $0x9C0;
	_ =	sdelay $0x3  }
0x59: {  	v3 =	vshll.u32 v3, $0x3;
	s22 =	sshra.s32 s20, $0x2;
	s20 =	smov.u32 s21  }
0x5a: {  	v3 =	vor.u32 v1, v3;
	v4 =	vld [tilespmem:s22+$0x80];
	_ =	sdelay $0x1  }
0x5b: {  	v2 =	vadd.s32 $0x2, v2;
	_ =	sdelay $0x1  }
.Ltmp7:
0x5c: {  	(pc) =	sbr.rel @!p0 .LBB2_4-.Ltmp7, $4  }
0x5d: {  	[tilespmem:v3+s11+$0x0] =	vst.idx.add.f32.msk $0xff, v4  }
0x5e: {  	[tilespmem:v3+s11+$0x0] =	vst.idx.add.f32.msk vm0, v4  }
0x5f: {  	v3 =	vld.idx.msk [tilespmem:v2+s2+$0x0], $0xffff  }
0x60: {  	s21 =	sadd.s32 $0x40, s21  }
.Ltmp8:
0x61: {  	_ = 	snop;
	(pc) =	sbr.rel .LBB2_5-.Ltmp8, $1  }
0x62: {  	_ =	sdelay $0x3  }
.LBB2_11:
0x63: {  	_ =	sfence.sel $0x180000  }
0x64: {  	[bflag:$0x0] =	sbarrier.arrive $0xFFFF  }
0x65: {  	p0 =	sne.s32 s1, $0x0;
	_ =	strace $0x9000004A  }
0x66: {  	s0 =	sadd.s32 @!p0 $0x100000, s0;
	[bflag:$0x2] =	sbarrier.arrive $0xFFFF  }
0x67: {  	[sflag:s0] =	ssyncadd.tile.s32 @!p0 $0x1;
	_ =	shalt  }
.Lfunc_end2:
_tile_overlayer_lowered:
.L_overlay_start_2:
0x68: {  	(tag) =	ssettag $0x2  }
0x69: {  	s0 =	rddreg [dreg:$0x0];
	s2 =	stileid.u32  }
0x6a: {  	s1 =	rddreg [dreg:$0x1];
	p0 =	sne.s32 s2, $0x0  }
0x6b: {  	s3 =	rddreg [dreg:$0x2];
	[bflag:$0x3] =	sbarrier.arrive $0xFFFF;
	s2 =	simm.s32 @!p0 $0x1C03  }
0x6c: {  	[timem:s3], [sflag:s2] =	dma.local @!p0 [hbm:s0], s1  }
0x6d: {  	s0 =	simm.s32 @!p0 $0x3  }
0x6e: {  	_ =	swait.ge @!p0 [sflag:s0], s1  }
0x6f: {  	s1 =	ssub.s32 @!p0 $0x0, s1;
	[sflag:s0] =	ssyncset.done @!p0 $0x0  }
0x70: {  	[sflag:s0] =	ssyncadd.s32 @!p0 s1  }
0x71: {  	[bflag:$0x3] =	sbarrier.arrive $0xFFFF  }
0x72: {  	_ =	shalt  }

// kernel: kernel.8.cloned.1.call-start
scs
__scs_entry_jumppad:
0x0: {  	(pc) =	sbr.rel $0x88, $3  }
0x1: {  	(tag) =	ssettag $0x0;
	lr =	simm.s32 $0x1  }
0x2: {  	[smem:$0x3F90] =	sst lr;
	_ =	strace $0xD0000000  }
0x3: {  	_ = 	snop  }
0x4: {  	_ = 	snop  }
0x5: {  	_ = 	snop  }
0x6: {  	_ = 	snop  }
0x7: {  	_ = 	snop  }
__scs_overlays_trampoline_lowered:
0x8: {  	[smem:$0x3F9F] =	sst s0  }
0x9: {  	[smem:$0x3FA0] =	sst s1  }
0xa: {  	[smem:$0x3FA1] =	sst s2  }
0xb: {  	[smem:$0x3FA2] =	sst s3  }
0xc: {  	[smem:$0x3FA3] =	sst s4  }
0xd: {  	[smem:$0x3FA4] =	sst s5  }
0xe: {  	[smem:$0x3FA5] =	sst s6  }
0xf: {  	[smem:$0x3FA6] =	sst s7  }
0x10: {  	[smem:$0x3FA7] =	sst s8  }
0x11: {  	[smem:$0x3FA8] =	sst s9;
	s0 =	simm.s32 @!p0 $0x0  }
0x12: {  	s1 =	sld [smem:$0x3F8E];
	s0 =	simm.s32 @p0 $0x1  }
0x13: {  	[smem:$0x3FA9] =	sst s0;
	s0 =	simm.s32 @!p1 $0x0  }
0x14: {  	s2 =	sld [smem:$0x3F8D];
	s0 =	simm.s32 @p1 $0x1  }
0x15: {  	[smem:$0x3FAA] =	sst s0;
	s0 =	simm.s32 @!p2 $0x0  }
0x16: {  	s3 =	sld [smem:$0x3FDB];
	s0 =	simm.s32 @p2 $0x1  }
0x17: {  	s4 =	simm.s32 $0x1BF5;
	[smem:$0x3FAC] =	sst s0  }
0x18: {  	s0 =	sld [smem:$0x3F8F];
	_ =	swait.ge [sflag:s4], $0x0  }
0x19: {  	s7 =	sld [smem:$0x3F90]  }
0x1a: {  	s8 =	sadd.s32 $0xFFFFE003, lr  }
0x1b: {  	s9 =	sadd.s32 $0xFFFFFEF7, lr;
	s5 =	simm.s32 $0xFFFFFFFF;
	p2 =	slt.u32 s8, $0xFFFFF086  }
0x1c: {  	p1 =	slt.u32 s9, $0xF7A;
	s5 =	simm.s32 @!p2 $0x0  }
0x1d: {  	s5 =	simm.s32 @p1 $0x1;
	p0 =	seq.s32 s7, s2  }
0x1e: {  	s7 =	smul.u32 @!p0 $0xF7A, s2;
	p2 =	seq.s32 @!p0 s5, $0x0  }
0x1f: {  	s9 =	smul.u32 $0xF7A, s1;
	s8 =	simm.s32 @!p0 $0x1BF5;
	p2 =	por !p2, p0  }
0x20: {  	[sflag:s8] =	ssyncset.s32 @!p0 $0xFFFFF086;
	s6 =	sadd.s32 @!p0 s3, s7;
	s7 =	simm.s32 @!p0 $0x108  }
0x21: {  	s3 =	sadd.s32 s3, s9;
	s6 =	sadd.s32 @!p0 $0x88, s6;
	s7 =	simm.s32 @p2 $0x1082  }
0x22: {  	[simem:s7], [sflag:s8] =	dma.local @!p0 [hbm:s6], $0xF7A  }
0x23: {  	s9 =	sor.u32 $0xD0000000, s2;
	s6 =	simm.s32 $0x108;
	_ =	swait.ge @!p0 [sflag:s8], $0x0  }
0x24: {  	s3 =	sadd.s32 $0x88, s3;
	s6 =	simm.s32 @!p1 $0x1082;
	[sflag:s4] =	ssyncset.s32 $0xFFFFF086  }
0x25: {  	[simem:s6], [sflag:s4] =	dma.local [hbm:s3], $0xF7A  }
0x26: {  	[smem:$0x3F90] =	sst s1;
	(tag) =	ssettag s2;
	_ =	strace s9  }
0x27: {  	s1 =	sld [smem:$0x3FA0]  }
0x28: {  	s2 =	sld [smem:$0x3FA1]  }
0x29: {  	s4 =	sld [smem:$0x3FA3]  }
0x2a: {  	p0 =	seq.s32 s5, $0x0;
	s5 =	sld [smem:$0x3FA4]  }
0x2b: {  	s6 =	sld [smem:$0x3FA5]  }
0x2c: {  	s7 =	sld [smem:$0x3FA6]  }
0x2d: {  	s3 =	simm.s32 $0x108;
	s8 =	sld [smem:$0x3FA7]  }
0x2e: {  	s3 =	simm.s32 @!p0 $0x1082;
	s9 =	sld [smem:$0x3FA8]  }
0x2f: {  	lr =	sadd.s32 s0, s3;
	s0 =	sld [smem:$0x3F9F]  }
0x30: {  	s3 =	sld [smem:$0x3FA2]  }
0x31: {  	[smem:$0x3FAB] =	sst s10  }
0x32: {  	s10 =	sld [smem:$0x3FA9];
	_ =	sdelay $0x3  }
0x33: {  	p0 =	seq.s32 s10, $0x1;
	s10 =	sld [smem:$0x3FAB];
	_ =	sdelay $0x3  }
0x34: {  	[smem:$0x3FAB] =	sst s10  }
0x35: {  	s10 =	sld [smem:$0x3FAA];
	_ =	sdelay $0x3  }
0x36: {  	p1 =	seq.s32 s10, $0x1;
	s10 =	sld [smem:$0x3FAB];
	_ =	sdelay $0x3  }
0x37: {  	[smem:$0x3FAB] =	sst s10  }
0x38: {  	s10 =	sld [smem:$0x3FAC]  }
0x39: {  	_ = 	snop;
	(pc) =	sbr.ind lr, $3  }
0x3a: {  	_ = 	snop  }
0x3b: {  	_ = 	snop  }
0x3c: {  	p2 =	seq.s32 s10, $0x1;
	s10 =	sld [smem:$0x3FAB]  }
0x3d: {  	_ =	shalt  }
0x3e: {  	_ =	shalt  }
0x3f: {  	_ =	shalt  }
0x40: {  	_ =	shalt  }
0x41: {  	_ =	shalt  }
0x42: {  	_ =	shalt  }
0x43: {  	_ =	shalt  }
0x44: {  	_ =	shalt  }
0x45: {  	_ =	shalt  }
0x46: {  	_ =	shalt  }
0x47: {  	_ =	shalt  }
0x48: {  	_ =	shalt  }
0x49: {  	_ =	shalt  }
0x4a: {  	_ =	shalt  }
0x4b: {  	_ =	shalt  }
0x4c: {  	_ =	shalt  }
0x4d: {  	_ =	shalt  }
0x4e: {  	_ =	shalt  }
0x4f: {  	_ =	shalt  }
0x50: {  	_ =	shalt  }
0x51: {  	_ =	shalt  }
0x52: {  	_ =	shalt  }
0x53: {  	_ =	shalt  }
0x54: {  	_ =	shalt  }
0x55: {  	_ =	shalt  }
0x56: {  	_ =	shalt  }
0x57: {  	_ =	shalt  }
0x58: {  	_ =	shalt  }
0x59: {  	_ =	shalt  }
0x5a: {  	_ =	shalt  }
0x5b: {  	_ =	shalt  }
0x5c: {  	_ =	shalt  }
0x5d: {  	_ =	shalt  }
0x5e: {  	_ =	shalt  }
0x5f: {  	_ =	shalt  }
0x60: {  	_ =	shalt  }
0x61: {  	_ =	shalt  }
0x62: {  	_ =	shalt  }
0x63: {  	_ =	shalt  }
0x64: {  	_ =	shalt  }
0x65: {  	_ =	shalt  }
0x66: {  	_ =	shalt  }
0x67: {  	_ =	shalt  }
0x68: {  	_ =	shalt  }
0x69: {  	_ =	shalt  }
0x6a: {  	_ =	shalt  }
0x6b: {  	_ =	shalt  }
0x6c: {  	_ =	shalt  }
0x6d: {  	_ =	shalt  }
0x6e: {  	_ =	shalt  }
0x6f: {  	_ =	shalt  }
0x70: {  	_ =	shalt  }
0x71: {  	_ =	shalt  }
0x72: {  	_ =	shalt  }
0x73: {  	_ =	shalt  }
0x74: {  	_ =	shalt  }
0x75: {  	_ =	shalt  }
0x76: {  	_ =	shalt  }
0x77: {  	_ =	shalt  }
0x78: {  	_ =	shalt  }
0x79: {  	_ =	shalt  }
0x7a: {  	_ =	shalt  }
0x7b: {  	_ =	shalt  }
0x7c: {  	_ =	shalt  }
0x7d: {  	_ =	shalt  }
0x7e: {  	_ =	shalt  }
0x7f: {  	_ =	shalt  }
0x80: {  	_ =	shalt  }
0x81: {  	_ =	shalt  }
0x82: {  	_ =	shalt  }
0x83: {  	_ =	shalt  }
0x84: {  	_ =	shalt  }
0x85: {  	_ =	shalt  }
0x86: {  	_ =	shalt  }
0x87: {  	_ =	shalt  }
.Lfunc_end0:
.L_simem_size_0:
called_computation_lowered:
.L_overlay_start_0:
0x88: {  	s2 =	sld [smem:$0x3FD9]  }
0x89: {  	s3 =	sld [smem:$0x3FFE];
	_ =	sdelay $0x1  }
0x8a: {  	s1 =	srdreg.scid  }
0x8b: {  	s0 =	sand.u32 $0x1, s1  }
0x8c: {  	s17 =	sshll.u32 s0, $0xA;
	s2 =	sadd.s32 s3, s2  }
0x8d: {  	s2 =	sadd.s32 s2, s17  }
0x8e: {  	[smem:$0x3FB7] =	sst s2  }
0x8f: {  	_ = 	snop  }
0x90: {  	s2 =	sld [smem:$0x3FD0];
	(tm) =	ssettm $0x1  }
0x91: {  	s18 =	sld [smem:$0x3FFB];
	_ =	sdelay $0x3  }
0x92: {  	_ =	strace s18  }
0x93: {  	s3 =	sld [smem:$0x3FFC];
	_ =	sdelay $0x3  }
0x94: {  	_ =	strace s3  }
0x95: {  	s3 =	sld [smem:$0x3FFD];
	_ =	sdelay $0x3  }
0x96: {  	_ =	strace s3  }
0x97: {  	_ =	strace $0x8FFFFFFF  }
0x98: {  	s19 =	sld [smem:$0x3FDB];
	_ =	sdelay $0x1  }
0x99: {  	s4 =	simm.s32 $_scs_section_size  }
0x9a: {  	s5 =	simm.s32 $_size__tile_overlayer_lowered;
	s6 =	simm.s32 $_tile_overlayer_lowered  }
0x9b: {  	s22 =	simm.s32 $0x1BFF;
	s21 =	sshll.u32 s6, $0x1;
	s3 =	sadd.s32 s4, s19  }
0x9c: {  	s7 =	simm.s32 $0x0;
	s20 =	sshll.u32 s5, $0x1;
	s5 =	sadd.s32 s21, s3  }
0x9d: {  	[timem:s7], [sflag:s22] =	dma.local [hbm:s5], s20  }
0x9e: {  	_ =	swait.ge [sflag:s22], s20  }
0x9f: {  	s4 =	ssub.s32 $0x0, s20;
	[sflag:s22] =	ssyncset.done $0x0  }
0xa0: {  	[sflag:s22] =	ssyncadd.s32 s4;
	_ =	sdelay $0x1  }
0xa1: {  	s23 =	simm.s32 $0x1B8B  }
0xa2: {  	_ =	swait.ge [sflag:s23], $0x1  }
0xa3: {  	[sflag:s23] =	ssyncset.done $0x0  }
0xa4: {  	s25 =	simm.s32 $0x1B8E;
	s24 =	sld [smem:$0x3FFE];
	[sflag:s23] =	ssyncadd.s32 $0xFFFFFFFF  }
0xa5: {  	s26 =	simm.s32 $execute0_lowered;
	[smem:$0x3FD2] =	sst s25  }
0xa6: {  	s5 =	sshll.u32 s26, $0x1;
	_ =	strace $0x80000046;
	[dreg:$0x1] =	wrdreg $0xFFFFFFFF  }
0xa7: {  	s28 =	simm.s32 $_size_execute0_lowered;
	s3 =	sadd.s32 s3, s5;
	[dreg:$0x0] =	wrdreg $0x0  }
0xa8: {  	s5 =	sshll.u32 s28, $0x1;
	[dreg:$0x2] =	wrdreg s3  }
0xa9: {  	[dreg:$0x3] =	wrdreg s5  }
0xaa: {  	[dreg:$0x4] =	wrdreg $0xC0  }
0xab: {  	_ =	task [dreg:s7], $0x5FFFF  }
0xac: {  	[dreg:$0x1] =	wrdreg $0xFFFFFFFF  }
0xad: {  	[dreg:$0x0] =	wrdreg $0x60  }
0xae: {  	[dreg:$0x2] =	wrdreg s2  }
0xaf: {  	[dreg:$0x3] =	wrdreg s24  }
0xb0: {  	[dreg:$0x4] =	wrdreg $0x9  }
0xb1: {  	_ =	task.clear_ibuf [dreg:s7], $0x5FFFF;
	_ =	strace $0x90000046  }
0xb2: {  	s29 =	simm.s32 $0x9;
	_ =	strace $0x80000048  }
0xb3: {  	_ =	swait.ge [sflag:s29], $0x1  }
0xb4: {  	[sflag:s29] =	ssyncadd.s32 $0xFFFFFFFF  }
0xb5: {  	_ =	strace $0x90000048  }
0xb6: {  	_ =	sfence  }
0xb7: {  	s30 =	sld [smem:$0x0];
	_ =	sdelay $0x2  }
0xb8: {  	s31 =	sshll.u32 s1, $0xD;
	s1 =	sshrl.u32 s1, $0x2  }
0xb9: {  	s3 =	sand.u32 $0x4000, s31;
	s1 =	sadd.s32 s1, s30  }
0xba: {  	s0 =	sor.u32 s3, s0;
	s1 =	sshll.u32 s1, $0x11  }
0xbb: {  	s0 =	sor.u32 s1, s0  }
0xbc: {  	s0 =	sadd.s32 $0x8F2B, s0  }
0xbd: {  	[sflag:s0] =	ssyncadd.remote.s32 $0x1  }
0xbe: {  	_ =	sfence.sel $0xFFFF  }
0xbf: {  	[dreg:$0x0] =	wrdreg $0xFFFFFFFF;
	(pc) =	sbr.abs _section_cstart, $3  }
0xc0: {  	[dreg:$0x1] =	wrdreg $0xFFFFFFFF  }
0xc1: {  	_ =	task.clear_ibuf [dreg:s7], $0x2FFFF;
	_ =	strace $0x9FFFFFFF  }
0xc2: {  	(tm) =	ssettm $0x7FFFFFFF  }
0xc3: {  	_ =	shalt  }
tec
execute0_lowered:
.L_overlay_start_1:
0x0: {  	(tag) =	ssettag $0x1  }
0x1: {  	s2 =	rddreg [dreg:$0x0]  }
0x2: {  	s0 =	rddreg [dreg:$0x1];
	s3 =	simm.s32 $0x0  }
0x3: {  	s13 =	stileid.u32;
	s1 =	srdreg.scid;
	s14 =	simm.s32 $0x80  }
0x4: {  	s15 =	simm.s32 $0x50;
	s16 =	simm.s32 $0x100;
	s17 =	simm.s32 $0x2900  }
0x5: {  	s18 =	simm.s32 $0x3100;
	s19 =	simm.s32 $0x3900;
	s20 =	simm.s32 $0x4100  }
0x6: {  	s21 =	simm.s32 $0x4900;
	s22 =	simm.s32 $0x5100;
	s7 =	smul.u32 $0x4E200, s13  }
0x7: {  	s23 =	simm.s32 $0x5900;
	s24 =	simm.s32 $0x6100;
	s8 =	smul.u32 $0x9C400, s13  }
0x8: {  	s1 =	sand.u32 $0x1, s1;
	s4 =	sshll.u32 s13, $0x1;
	s13 =	smul.u32 $0x4E20, s13  }
0x9: {  	s29 =	simm.s32 $0x6;
	s31 =	simm.s32 $0x7A00;
	s10 =	smul.u32 $0x4E200, s1  }
0xa: {  	[smem:$0x7FF] =	sst s3;
	s6 =	sadd.s32 $0x4400, s0;
	s12 =	smul.u32 $0x27100, s1  }
0xb: {  	s5 =	sor.u32 s1, s4;
	s11 =	ssub.s32 $0x2, s1;
	s1 =	smul.u32 $0x2710, s1  }
0xc: {  	s4 =	sadd.s32 $0x18000, s0;
	s9 =	smul.u32 $0x2710, s5;
	s5 =	sadd.s32 $0xE200, s0  }
0xd: {  	s7 =	sadd.s32 s7, s0;
	s0 =	sadd.s32 s8, s0;
	s25 =	sshrl.u32 s11, $0x1  }
0xe: {  	_ =	strace $0x80000047;
	s8 =	ssub.s32 s11, s25;
	s0 =	sadd.s32 s10, s0  }
0xf: {  	s7 =	sadd.s32 s12, s7;
	s1 =	sadd.s32 s1, s13;
	s25 =	simm.s32 $0x6900  }
0x10: {  	s11 =	simm.s32 $0x0;
	s9 =	sshrl.u32 s9, $0x3;
	s8 =	smax.u32 s8, $0x1  }
0x11: {  	s0 =	sadd.s32 $0x548200, s0;
	s28 =	sadd.s32 $0x66200, s7;
	[dreg:$0x5] =	wrdreg s8  }
.Ltmp0:
0x12: {  	s30 =	sadd.s32 $0x50, s1;
	[dreg:$0x6] =	wrdreg s0;
	(pc) =	sbr.rel .LBB2_1-.Ltmp0, $4  }
0x13: {  	s1 =	simm.s32 $0x1;
	s7 =	simm.s32 $0x2;
	[dreg:$0x7] =	wrdreg s28  }
0x14: {  	v2 =	vlaneseq.u32;
	s26 =	sadd.s32 s5, s9;
	s9 =	sadd.s32 s6, s9;
	[dreg:$0x8] =	wrdreg s30  }
0x15: {  	vm0 =	vmmov $0xffff;
	v1 =	vshrl.u32 v2, $0x3;
	s0 =	simm.s32 $0xA200;
	s8 =	simm.s32 $0x3;
	[dreg:$0x3] =	wrdreg s26  }
0x16: {  	v0 =	vand.u32 $0x7, v2;
	v2 =	vor.u32 $0x8, v2;
	v1 =	vmul.u32 $0x8, v1;
	[dreg:$0x4] =	wrdreg s9;
	s26 =	simm.s32 $0x7100;
	s9 =	simm.s32 $0x4  }
.LBB2_8:
0x17: {  	s11 =	rddreg [dreg:$0x9]  }
0x18: {  	s10 =	rddreg [dreg:$0x5];
	s11 =	sadd.s32 $0x1, s11  }
0x19: {  	p0 =	sne.s32 s11, s10  }
.Ltmp1:
0x1a: {  	_ = 	snop;
	(pc) =	sbr.rel @!p0 .LBB2_9-.Ltmp1, $1  }
0x1b: {  	_ =	sdelay $0x3  }
.LBB2_1:
0x1c: {  	[dreg:$0x9] =	wrdreg s11  }
0x1d: {  	s10 =	rddreg [dreg:$0x3];
	s13 =	simm.s32 $0x5  }
0x1e: {  	[tilespmem:s3], [sflag:$0x5] =	stream.linear.gather [hbm4b:s10+s3], $0x50, $0x38;
	[tilespmem:$0xF200] =	vst v63  }
0x1f: {  	_ =	swait.ge [sflag:s13], $0x50  }
0x20: {  	[sflag:s13] =	ssyncset.done $0x0  }
0x21: {  	s28 =	rddreg [dreg:$0x4];
	[sflag:s13] =	ssyncadd.s32 $0xFFFFFFB0  }
0x22: {  	[tilespmem:s14], [sflag:$0x5] =	stream.linear.gather [hbm4b:s28+s3], $0x50, $0x38;
	[tilespmem:$0xF200] =	vst v63  }
0x23: {  	_ =	swait.ge [sflag:s13], $0x50  }
0x24: {  	[sflag:s13] =	ssyncset.done $0x0  }
0x25: {  	[sflag:s13] =	ssyncadd.s32 $0xFFFFFFB0  }
0x26: {  	[tilespmem:s16], [sflag:$0x1] =	stream.indirect.gather [hbm4b:s2+s15], $0x80, s3, s15, $0xb8;
	[tilespmem:$0xF200] =	vst v63  }
0x27: {  	v3 =	vld [tilespmem:$0x80];
	_ =	sdelay $0x4  }
0x28: {  	v4 =	vshll.u32 v3, $0x1  }
0x29: {  	v3 =	vand.u32 $0x7, v3;
	v4 =	vand.u32 $0xFFFFFFF0, v4  }
0x2a: {  	v3 =	vor.u32 v3, v4  }
0x2b: {  	v4 =	vperm.xlane v3, v0;
	_ =	sdelay $0x1  }
0x2c: {  	v3 =	vperm.xlane v3, v2;
	v4 =	vadd.s32 v1, v4;
	_ =	sdelay $0x1  }
0x2d: {  	v3 =	vadd.s32 v1, v3;
	_ =	sdelay $0x2  }
0x2e: {  	[tilespmem:s17], [sflag:$0x2] =	stream.indirect_vreg.gather [hbm4b:s4+s3], $0x80, v4, vm0, $0xb8;
	[tilespmem:$0xF200] =	vst v63  }
0x2f: {  	_ = 	snop  }
0x30: {  	[tilespmem:s18], [sflag:$0x2] =	stream.indirect_vreg.gather [hbm4b:s4+s3], $0x80, v3, vm0, $0xb8;
	[tilespmem:$0xF200] =	vst v63  }
0x31: {  	v3 =	vld [tilespmem:$0x90];
	_ =	sdelay $0x4  }
0x32: {  	v60 =	vshll.u32 v3, $0x1  }
0x33: {  	v3 =	vand.u32 $0x7, v3;
	v4 =	vand.u32 $0xFFFFFFF0, v60  }
0x34: {  	v3 =	vor.u32 v3, v4  }
0x35: {  	v4 =	vperm.xlane v3, v0;
	_ =	sdelay $0x1  }
0x36: {  	v3 =	vperm.xlane v3, v2;
	v4 =	vadd.s32 v1, v4;
	_ =	sdelay $0x1  }
0x37: {  	v3 =	vadd.s32 v1, v3;
	_ =	sdelay $0x2  }
0x38: {  	[tilespmem:s19], [sflag:$0x2] =	stream.indirect_vreg.gather [hbm4b:s4+s3], $0x80, v4, vm0, $0xb8;
	[tilespmem:$0xF200] =	vst v63  }
0x39: {  	_ = 	snop  }
0x3a: {  	[tilespmem:s20], [sflag:$0x2] =	stream.indirect_vreg.gather [hbm4b:s4+s3], $0x80, v3, vm0, $0xb8;
	[tilespmem:$0xF200] =	vst v63  }
0x3b: {  	v3 =	vld [tilespmem:$0xA0];
	_ =	sdelay $0x4  }
0x3c: {  	v61 =	vshll.u32 v3, $0x1  }
0x3d: {  	v3 =	vand.u32 $0x7, v3;
	v4 =	vand.u32 $0xFFFFFFF0, v61  }
0x3e: {  	v3 =	vor.u32 v3, v4  }
0x3f: {  	v4 =	vperm.xlane v3, v0;
	_ =	sdelay $0x1  }
0x40: {  	v3 =	vperm.xlane v3, v2;
	v4 =	vadd.s32 v1, v4;
	_ =	sdelay $0x1  }
0x41: {  	v3 =	vadd.s32 v1, v3;
	_ =	sdelay $0x2  }
0x42: {  	[tilespmem:s21], [sflag:$0x2] =	stream.indirect_vreg.gather [hbm4b:s4+s3], $0x80, v4, vm0, $0xb8;
	[tilespmem:$0xF200] =	vst v63  }
0x43: {  	_ = 	snop  }
0x44: {  	[tilespmem:s22], [sflag:$0x2] =	stream.indirect_vreg.gather [hbm4b:s4+s3], $0x80, v3, vm0, $0xb8;
	[tilespmem:$0xF200] =	vst v63  }
0x45: {  	v3 =	vld [tilespmem:$0xB0];
	_ =	sdelay $0x4  }
0x46: {  	v62 =	vshll.u32 v3, $0x1  }
0x47: {  	v3 =	vand.u32 $0x7, v3;
	v4 =	vand.u32 $0xFFFFFFF0, v62  }
0x48: {  	v3 =	vor.u32 v3, v4  }
0x49: {  	v4 =	vperm.xlane v3, v0;
	_ =	sdelay $0x1  }
0x4a: {  	v3 =	vperm.xlane v3, v2;
	v4 =	vadd.s32 v1, v4;
	_ =	sdelay $0x1  }
0x4b: {  	v3 =	vadd.s32 v1, v3;
	_ =	sdelay $0x2  }
0x4c: {  	[tilespmem:s23], [sflag:$0x2] =	stream.indirect_vreg.gather [hbm4b:s4+s3], $0x80, v4, vm0, $0xb8;
	[tilespmem:$0xF200] =	vst v63  }
0x4d: {  	_ = 	snop  }
0x4e: {  	[tilespmem:s24], [sflag:$0x2] =	stream.indirect_vreg.gather [hbm4b:s4+s3], $0x80, v3, vm0, $0xb8;
	[tilespmem:$0xF200] =	vst v63  }
0x4f: {  	v3 =	vld [tilespmem:$0xC0];
	_ =	sdelay $0x4  }
0x50: {  	v63 =	vshll.u32 v3, $0x1  }
0x51: {  	v3 =	vand.u32 $0x7, v3;
	v4 =	vand.u32 $0xFFFFFFF0, v63  }
0x52: {  	v3 =	vor.u32 v3, v4  }
0x53: {  	v4 =	vperm.xlane v3, v0;
	_ =	sdelay $0x1  }
0x54: {  	v3 =	vperm.xlane v3, v2;
	v4 =	vadd.s32 v1, v4;
	_ =	sdelay $0x1  }
0x55: {  	v3 =	vadd.s32 v1, v3  }
.Ltmp2:
0x56: {  	s11 =	rddreg [dreg:$0x8];
	(pc) =	sbr.rel .LBB2_2-.Ltmp2, $4  }
0x57: {  	s12 =	rddreg [dreg:$0x7]  }
0x58: {  	[tilespmem:s25], [sflag:$0x2] =	stream.indirect_vreg.gather [hbm4b:s4+s3], $0x80, v4, vm0, $0xb8;
	[tilespmem:$0xF200] =	vst v63  }
0x59: {  	s30 =	simm.s32 $0x1;
	s13 =	rddreg [dreg:$0x6]  }
0x5a: {  	[tilespmem:s26], [sflag:$0x2] =	stream.indirect_vreg.gather [hbm4b:s4+s3], $0x80, v3, vm0, $0xb8;
	[tilespmem:$0xF200] =	vst v63  }
.LBB2_6:
0x5b: {  	s10 =	sshrl.u32 s11, $0x3  }
0x5c: {  	s28 =	sadd.s32 s5, s10  }
0x5d: {  	[tilespmem:s3], [sflag:$0x6] =	stream.linear.gather [hbm4b:s28+s3], $0x50, $0x38;
	[tilespmem:$0xF200] =	vst v63  }
0x5e: {  	_ =	swait.ge [sflag:s29], $0x50  }
0x5f: {  	[sflag:s29] =	ssyncset.done $0x0  }
0x60: {  	s10 =	sadd.s32 s6, s10;
	[sflag:s29] =	ssyncadd.s32 $0xFFFFFFB0  }
0x61: {  	[tilespmem:s14], [sflag:$0x6] =	stream.linear.gather [hbm4b:s10+s3], $0x50, $0x38;
	[tilespmem:$0xF200] =	vst v63  }
0x62: {  	_ =	swait.ge [sflag:s29], $0x50  }
0x63: {  	[sflag:s29] =	ssyncset.done $0x0  }
0x64: {  	[sflag:s29] =	ssyncadd.s32 $0xFFFFFFB0  }
0x65: {  	[tilespmem:s16], [sflag:$0x1] =	stream.indirect.gather [hbm4b:s2+s15], $0x80, s3, s15, $0xb8;
	[tilespmem:$0xF200] =	vst v63  }
0x66: {  	v3 =	vld [tilespmem:$0x80];
	_ =	sdelay $0x4  }
0x67: {  	v4 =	vshll.u32 v3, $0x1  }
0x68: {  	v3 =	vand.u32 $0x7, v3;
	v4 =	vand.u32 $0xFFFFFFF0, v4  }
0x69: {  	v3 =	vor.u32 v3, v4  }
0x6a: {  	v4 =	vperm.xlane v3, v0;
	_ =	sdelay $0x1  }
0x6b: {  	v3 =	vperm.xlane v3, v2;
	v4 =	vadd.s32 v1, v4;
	_ =	sdelay $0x1  }
0x6c: {  	v3 =	vadd.s32 v1, v3;
	_ =	sdelay $0x2  }
0x6d: {  	[tilespmem:s17], [sflag:$0x2] =	stream.indirect_vreg.gather [hbm4b:s4+s3], $0x80, v4, vm0, $0xb8;
	[tilespmem:$0xF200] =	vst v63  }
0x6e: {  	_ = 	snop  }
0x6f: {  	[tilespmem:s18], [sflag:$0x2] =	stream.indirect_vreg.gather [hbm4b:s4+s3], $0x80, v3, vm0, $0xb8;
	[tilespmem:$0xF200] =	vst v63  }
0x70: {  	v3 =	vld [tilespmem:$0x90];
	_ =	sdelay $0x4  }
0x71: {  	v60 =	vshll.u32 v3, $0x1  }
0x72: {  	v3 =	vand.u32 $0x7, v3;
	v4 =	vand.u32 $0xFFFFFFF0, v60  }
0x73: {  	v3 =	vor.u32 v3, v4  }
0x74: {  	v4 =	vperm.xlane v3, v0;
	_ =	sdelay $0x1  }
0x75: {  	v3 =	vperm.xlane v3, v2;
	v4 =	vadd.s32 v1, v4;
	_ =	sdelay $0x1  }
0x76: {  	v3 =	vadd.s32 v1, v3;
	_ =	sdelay $0x2  }
0x77: {  	[tilespmem:s19], [sflag:$0x2] =	stream.indirect_vreg.gather [hbm4b:s4+s3], $0x80, v4, vm0, $0xb8;
	[tilespmem:$0xF200] =	vst v63  }
0x78: {  	_ = 	snop  }
0x79: {  	[tilespmem:s20], [sflag:$0x2] =	stream.indirect_vreg.gather [hbm4b:s4+s3], $0x80, v3, vm0, $0xb8;
	[tilespmem:$0xF200] =	vst v63  }
0x7a: {  	v3 =	vld [tilespmem:$0xA0];
	_ =	sdelay $0x4  }
0x7b: {  	v61 =	vshll.u32 v3, $0x1  }
0x7c: {  	v3 =	vand.u32 $0x7, v3;
	v4 =	vand.u32 $0xFFFFFFF0, v61  }
0x7d: {  	v3 =	vor.u32 v3, v4  }
0x7e: {  	v4 =	vperm.xlane v3, v0;
	_ =	sdelay $0x1  }
0x7f: {  	v3 =	vperm.xlane v3, v2;
	v4 =	vadd.s32 v1, v4;
	_ =	sdelay $0x1  }
0x80: {  	v3 =	vadd.s32 v1, v3;
	_ =	sdelay $0x2  }
0x81: {  	[tilespmem:s21], [sflag:$0x2] =	stream.indirect_vreg.gather [hbm4b:s4+s3], $0x80, v4, vm0, $0xb8;
	[tilespmem:$0xF200] =	vst v63  }
0x82: {  	_ = 	snop  }
0x83: {  	[tilespmem:s22], [sflag:$0x2] =	stream.indirect_vreg.gather [hbm4b:s4+s3], $0x80, v3, vm0, $0xb8;
	[tilespmem:$0xF200] =	vst v63  }
0x84: {  	v3 =	vld [tilespmem:$0xB0];
	_ =	sdelay $0x4  }
0x85: {  	v62 =	vshll.u32 v3, $0x1  }
0x86: {  	v3 =	vand.u32 $0x7, v3;
	v4 =	vand.u32 $0xFFFFFFF0, v62  }
0x87: {  	v3 =	vor.u32 v3, v4  }
0x88: {  	v4 =	vperm.xlane v3, v0;
	_ =	sdelay $0x1  }
0x89: {  	v3 =	vperm.xlane v3, v2;
	v4 =	vadd.s32 v1, v4;
	_ =	sdelay $0x1  }
0x8a: {  	v3 =	vadd.s32 v1, v3;
	_ =	sdelay $0x2  }
0x8b: {  	[tilespmem:s23], [sflag:$0x2] =	stream.indirect_vreg.gather [hbm4b:s4+s3], $0x80, v4, vm0, $0xb8;
	[tilespmem:$0xF200] =	vst v63  }
0x8c: {  	_ = 	snop  }
0x8d: {  	[tilespmem:s24], [sflag:$0x2] =	stream.indirect_vreg.gather [hbm4b:s4+s3], $0x80, v3, vm0, $0xb8;
	[tilespmem:$0xF200] =	vst v63  }
0x8e: {  	v3 =	vld [tilespmem:$0xC0];
	_ =	sdelay $0x4  }
0x8f: {  	v63 =	vshll.u32 v3, $0x1  }
0x90: {  	v3 =	vand.u32 $0x7, v3;
	v4 =	vand.u32 $0xFFFFFFF0, v63  }
0x91: {  	v3 =	vor.u32 v3, v4  }
0x92: {  	v4 =	vperm.xlane v3, v0;
	_ =	sdelay $0x1  }
0x93: {  	v3 =	vperm.xlane v3, v2;
	v4 =	vadd.s32 v1, v4;
	_ =	sdelay $0x1  }
0x94: {  	v3 =	vadd.s32 v1, v3;
	_ =	sdelay $0x2  }
0x95: {  	[tilespmem:s25], [sflag:$0x2] =	stream.indirect_vreg.gather [hbm4b:s4+s3], $0x80, v4, vm0, $0xb8;
	[tilespmem:$0xF200] =	vst v63  }
0x96: {  	_ = 	snop  }
0x97: {  	[tilespmem:s26], [sflag:$0x2] =	stream.indirect_vreg.gather [hbm4b:s4+s3], $0x80, v3, vm0, $0xb8;
	[tilespmem:$0xF200] =	vst v63  }
0x98: {  	_ =	swait.ge [sflag:s8], $0x2800  }
0x99: {  	[sflag:s8] =	ssyncset.done $0x0  }
0x9a: {  	[sflag:s8] =	ssyncadd.s32 $0xFFFFD800  }
0x9b: {  	_ =	swait.ge [sflag:s9], $0x5000  }
0x9c: {  	[sflag:s9] =	ssyncset.done $0x0  }
0x9d: {  	[sflag:s9] =	ssyncadd.s32 $0xFFFFB000  }
0x9e: {  	[hbm4b:s12+s3] =	stream.linear.scatter [tilespmem:s31], [sflag:$0x6], $0x2800, $0x38;
	[tilespmem:$0xF200] =	vst v63  }
0x9f: {  	_ =	swait.ge [sflag:s29], $0x2800  }
0xa0: {  	[sflag:s29] =	ssyncset.done $0x0  }
0xa1: {  	s10 =	simm.s32 $0x5;
	[sflag:s29] =	ssyncadd.s32 $0xFFFFD800  }
0xa2: {  	[hbm4b:s13+s3] =	stream.linear.scatter [tilespmem:s0], [sflag:$0x5], $0x5000, $0x38;
	[tilespmem:$0xF200] =	vst v63  }
.LBB2_7:
0xa3: {  	s30 =	sadd.s32 $0x1, s30  }
0xa4: {  	p0 =	sne.s32 s30, $0x7E  }
.Ltmp3:
0xa5: {  	_ = 	snop;
	(pc) =	sbr.rel @!p0 .LBB2_8-.Ltmp3, $4  }
0xa6: {  	_ = 	snop  }
0xa7: {  	_ =	swait.ge [sflag:s10], $0x5000  }
0xa8: {  	s13 =	sadd.s32 $0xA00, s13;
	[sflag:s10] =	ssyncset.done $0x0  }
0xa9: {  	s12 =	sadd.s32 $0x500, s12;
	s11 =	sadd.s32 $0x50, s11;
	[sflag:s10] =	ssyncadd.s32 $0xFFFFB000  }
.LBB2_2:
0xaa: {  	s10 =	sand.u32 $0x1, s30  }
0xab: {  	p0 =	seq.s32 s10, $0x0  }
.Ltmp4:
0xac: {  	_ = 	snop;
	(pc) =	sbr.rel @p0 .LBB2_6-.Ltmp4, $1  }
0xad: {  	_ =	sdelay $0x3  }
0xae: {  	p0 =	sgt.u32 s30, $0x7C  }
.Ltmp5:
0xaf: {  	_ = 	snop;
	(pc) =	sbr.rel @p0 .LBB2_5-.Ltmp5, $1  }
0xb0: {  	_ =	sdelay $0x3  }
0xb1: {  	s10 =	sshrl.u32 s11, $0x3  }
0xb2: {  	s14 =	simm.s32 $0x7900;
	s28 =	sadd.s32 s5, s10  }
0xb3: {  	[tilespmem:s14], [sflag:$0x6] =	stream.linear.gather [hbm4b:s28+s3], $0x50, $0x38;
	[tilespmem:$0xF200] =	vst v63  }
0xb4: {  	_ =	swait.ge [sflag:s29], $0x50  }
0xb5: {  	[sflag:s29] =	ssyncset.done $0x0  }
0xb6: {  	s10 =	sadd.s32 s6, s10;
	s28 =	simm.s32 $0x7980;
	[sflag:s29] =	ssyncadd.s32 $0xFFFFFFB0  }
0xb7: {  	[tilespmem:s28], [sflag:$0x6] =	stream.linear.gather [hbm4b:s10+s3], $0x50, $0x38;
	[tilespmem:$0xF200] =	vst v63  }
0xb8: {  	_ =	swait.ge [sflag:s29], $0x50  }
0xb9: {  	[sflag:s29] =	ssyncset.done $0x0  }
0xba: {  	[sflag:s29] =	ssyncadd.s32 $0xFFFFFFB0  }
0xbb: {  	[tilespmem:s31], [sflag:$0x3] =	stream.indirect.gather [hbm4b:s2+s15], $0x80, s14, s15, $0xb8;
	[tilespmem:$0xF200] =	vst v63  }
0xbc: {  	v3 =	vld [tilespmem:$0x7980];
	_ =	sdelay $0x4  }
0xbd: {  	v4 =	vshll.u32 v3, $0x1  }
0xbe: {  	v3 =	vand.u32 $0x7, v3;
	v4 =	vand.u32 $0xFFFFFFF0, v4  }
0xbf: {  	v3 =	vor.u32 v3, v4  }
0xc0: {  	v4 =	vperm.xlane v3, v0;
	_ =	sdelay $0x1  }
0xc1: {  	v3 =	vperm.xlane v3, v2;
	v4 =	vadd.s32 v1, v4;
	_ =	sdelay $0x1  }
0xc2: {  	v3 =	vadd.s32 v1, v3;
	_ =	sdelay $0x2  }
0xc3: {  	[tilespmem:s0], [sflag:$0x4] =	stream.indirect_vreg.gather [hbm4b:s4+s3], $0x80, v4, vm0, $0xb8;
	[tilespmem:$0xF200] =	vst v63  }
0xc4: {  	s28 =	simm.s32 $0xAA00  }
0xc5: {  	[tilespmem:s28], [sflag:$0x4] =	stream.indirect_vreg.gather [hbm4b:s4+s3], $0x80, v3, vm0, $0xb8;
	[tilespmem:$0xF200] =	vst v63  }
0xc6: {  	v3 =	vld [tilespmem:$0x7990];
	_ =	sdelay $0x4  }
0xc7: {  	v60 =	vshll.u32 v3, $0x1  }
0xc8: {  	v3 =	vand.u32 $0x7, v3;
	v4 =	vand.u32 $0xFFFFFFF0, v60  }
0xc9: {  	v3 =	vor.u32 v3, v4  }
0xca: {  	v4 =	vperm.xlane v3, v0;
	_ =	sdelay $0x1  }
0xcb: {  	v3 =	vperm.xlane v3, v2;
	v4 =	vadd.s32 v1, v4;
	_ =	sdelay $0x1  }
0xcc: {  	v3 =	vadd.s32 v1, v3;
	_ =	sdelay $0x1  }
0xcd: {  	s28 =	simm.s32 $0xB200  }
0xce: {  	[tilespmem:s28], [sflag:$0x4] =	stream.indirect_vreg.gather [hbm4b:s4+s3], $0x80, v4, vm0, $0xb8;
	[tilespmem:$0xF200] =	vst v63  }
0xcf: {  	s28 =	simm.s32 $0xBA00  }
0xd0: {  	[tilespmem:s28], [sflag:$0x4] =	stream.indirect_vreg.gather [hbm4b:s4+s3], $0x80, v3, vm0, $0xb8;
	[tilespmem:$0xF200] =	vst v63  }
0xd1: {  	v3 =	vld [tilespmem:$0x79A0];
	_ =	sdelay $0x4  }
0xd2: {  	v61 =	vshll.u32 v3, $0x1  }
0xd3: {  	v3 =	vand.u32 $0x7, v3;
	v4 =	vand.u32 $0xFFFFFFF0, v61  }
0xd4: {  	v3 =	vor.u32 v3, v4  }
0xd5: {  	v4 =	vperm.xlane v3, v0;
	_ =	sdelay $0x1  }
0xd6: {  	v3 =	vperm.xlane v3, v2;
	v4 =	vadd.s32 v1, v4;
	_ =	sdelay $0x1  }
0xd7: {  	v3 =	vadd.s32 v1, v3;
	_ =	sdelay $0x1  }
0xd8: {  	s28 =	simm.s32 $0xC200  }
0xd9: {  	[tilespmem:s28], [sflag:$0x4] =	stream.indirect_vreg.gather [hbm4b:s4+s3], $0x80, v4, vm0, $0xb8;
	[tilespmem:$0xF200] =	vst v63  }
0xda: {  	s28 =	simm.s32 $0xCA00  }
0xdb: {  	[tilespmem:s28], [sflag:$0x4] =	stream.indirect_vreg.gather [hbm4b:s4+s3], $0x80, v3, vm0, $0xb8;
	[tilespmem:$0xF200] =	vst v63  }
0xdc: {  	v3 =	vld [tilespmem:$0x79B0];
	_ =	sdelay $0x4  }
0xdd: {  	v62 =	vshll.u32 v3, $0x1  }
0xde: {  	v3 =	vand.u32 $0x7, v3;
	v4 =	vand.u32 $0xFFFFFFF0, v62  }
0xdf: {  	v3 =	vor.u32 v3, v4  }
0xe0: {  	v4 =	vperm.xlane v3, v0;
	_ =	sdelay $0x1  }
0xe1: {  	v3 =	vperm.xlane v3, v2;
	v4 =	vadd.s32 v1, v4;
	_ =	sdelay $0x1  }
0xe2: {  	v3 =	vadd.s32 v1, v3;
	_ =	sdelay $0x1  }
0xe3: {  	s28 =	simm.s32 $0xD200  }
0xe4: {  	[tilespmem:s28], [sflag:$0x4] =	stream.indirect_vreg.gather [hbm4b:s4+s3], $0x80, v4, vm0, $0xb8;
	[tilespmem:$0xF200] =	vst v63  }
0xe5: {  	s28 =	simm.s32 $0xDA00  }
0xe6: {  	[tilespmem:s28], [sflag:$0x4] =	stream.indirect_vreg.gather [hbm4b:s4+s3], $0x80, v3, vm0, $0xb8;
	[tilespmem:$0xF200] =	vst v63  }
0xe7: {  	v3 =	vld [tilespmem:$0x79C0];
	_ =	sdelay $0x4  }
0xe8: {  	v63 =	vshll.u32 v3, $0x1  }
0xe9: {  	v3 =	vand.u32 $0x7, v3;
	v4 =	vand.u32 $0xFFFFFFF0, v63  }
0xea: {  	v3 =	vor.u32 v3, v4  }
0xeb: {  	v4 =	vperm.xlane v3, v0;
	_ =	sdelay $0x1  }
0xec: {  	v3 =	vperm.xlane v3, v2;
	v4 =	vadd.s32 v1, v4;
	_ =	sdelay $0x1  }
0xed: {  	v3 =	vadd.s32 v1, v3;
	_ =	sdelay $0x1  }
0xee: {  	s28 =	simm.s32 $0xE200  }
0xef: {  	[tilespmem:s28], [sflag:$0x4] =	stream.indirect_vreg.gather [hbm4b:s4+s3], $0x80, v4, vm0, $0xb8;
	[tilespmem:$0xF200] =	vst v63  }
0xf0: {  	s14 =	simm.s32 $0x80;
	s28 =	simm.s32 $0xEA00  }
0xf1: {  	[tilespmem:s28], [sflag:$0x4] =	stream.indirect_vreg.gather [hbm4b:s4+s3], $0x80, v3, vm0, $0xb8;
	[tilespmem:$0xF200] =	vst v63  }
.LBB2_5:
0xf2: {  	_ =	swait.ge [sflag:s1], $0x2800  }
0xf3: {  	[sflag:s1] =	ssyncset.done $0x0  }
0xf4: {  	[sflag:s1] =	ssyncadd.s32 $0xFFFFD800  }
0xf5: {  	_ =	swait.ge [sflag:s7], $0x5000  }
0xf6: {  	[sflag:s7] =	ssyncset.done $0x0  }
0xf7: {  	[sflag:s7] =	ssyncadd.s32 $0xFFFFB000  }
0xf8: {  	[hbm4b:s12+s3] =	stream.linear.scatter [tilespmem:s16], [sflag:$0x6], $0x2800, $0x38;
	[tilespmem:$0xF200] =	vst v63  }
.Ltmp6:
0xf9: {  	s10 =	simm.s32 $0x6;
	(pc) =	sbr.rel .LBB2_7-.Ltmp6, $4  }
0xfa: {  	_ =	swait.ge [sflag:s10], $0x2800  }
0xfb: {  	[sflag:s10] =	ssyncset.done $0x0  }
0xfc: {  	[sflag:s10] =	ssyncadd.s32 $0xFFFFD800  }
0xfd: {  	[hbm4b:s13+s3] =	stream.linear.scatter [tilespmem:s17], [sflag:$0x6], $0x5000, $0x38;
	[tilespmem:$0xF200] =	vst v63  }
.LBB2_9:
0xfe: {  	_ =	sfence.sel $0x180000  }
0xff: {  	[bflag:$0x0] =	sbarrier.arrive $0xFFFF  }
0x100: {  	_ =	strace $0x90000047  }
0x101: {  	s0 =	stileid.u32;
	[bflag:$0x2] =	sbarrier.arrive $0xFFFF  }
0x102: {  	p0 =	sne.s32 s0, $0x0;
	s0 =	rddreg [dreg:$0x2]  }
0x103: {  	s0 =	sadd.s32 @!p0 $0x100000, s0  }
0x104: {  	[sflag:s0] =	ssyncadd.tile.s32 @!p0 $0x1;
	_ =	shalt  }
.Lfunc_end2:
_tile_overlayer_lowered:
.L_overlay_start_2:
0x105: {  	(tag) =	ssettag $0x2  }
0x106: {  	s0 =	rddreg [dreg:$0x0];
	s2 =	stileid.u32  }
0x107: {  	s1 =	rddreg [dreg:$0x1];
	p0 =	sne.s32 s2, $0x0  }
0x108: {  	s3 =	rddreg [dreg:$0x2];
	[bflag:$0x3] =	sbarrier.arrive $0xFFFF;
	s2 =	simm.s32 @!p0 $0x1C05  }
0x109: {  	[timem:s3], [sflag:s2] =	dma.local @!p0 [hbm:s0], s1  }
0x10a: {  	s0 =	simm.s32 @!p0 $0x5  }
0x10b: {  	_ =	swait.ge @!p0 [sflag:s0], s1  }
0x10c: {  	s1 =	ssub.s32 @!p0 $0x0, s1;
	[sflag:s0] =	ssyncset.done @!p0 $0x0  }
0x10d: {  	[sflag:s0] =	ssyncadd.s32 @!p0 s1  }
0x10e: {  	[bflag:$0x3] =	sbarrier.arrive $0xFFFF  }
0x10f: {  	_ =	shalt  }

</sc_bundles>
